<compile_context>
chip_gen: v7x
topology: tpu7x:2x2x1
jax: 0.10.2.dev20260603
libtpu: 0.0.44.dev20260713+nightly
codegen_flags: <defaults>
</compile_context>

<pallas_src>
import functools

import jax
import jax.numpy as jnp
from jax import lax
from jax.experimental import pallas as pl
from jax.experimental.pallas import tpu as pltpu
from jax.experimental.pallas import tpu_sc as plsc

_NUM_CLASSES = 4
_LANES = 16


@functools.lru_cache(maxsize=None)
def _build_sc_kernel(n_batch: int, height: int, width: int, rows: int):
    assert height % rows == 0 and width % _LANES == 0
    n_chunks = height // rows
    assert n_chunks >= 2
    vecs_per_row = width // _LANES
    mesh = plsc.VectorSubcoreMesh(core_axis_name="c", subcore_axis_name="s")
    n_cores = mesh.num_cores
    n_workers = n_cores * mesh.num_subcores
    assert n_batch == n_workers
    out_shape = (n_batch, 1, _NUM_CLASSES, height, width)

    @functools.partial(
        pl.kernel,
        out_type=jax.ShapeDtypeStruct(out_shape, jnp.float32),
        mesh=mesh,
        scratch_types=[
            pltpu.VMEM((2, rows, width), jnp.float32),
            pltpu.VMEM((2, _NUM_CLASSES, rows, width), jnp.float32),
            pltpu.SemaphoreType.DMA,
            pltpu.SemaphoreType.DMA,
        ],
    )
    def one_hot_sc(x_hbm, out_hbm, x_v, o_v, in_sem, out_sem):
        wid = lax.axis_index("s") * n_cores + lax.axis_index("c")

        def load_desc(ci, slot):
            return pltpu.make_async_copy(
                x_hbm.at[wid, 0, pl.ds(ci * rows, rows), :], x_v.at[slot],
                in_sem)

        def store_desc(ci, slot):
            return pltpu.make_async_copy(
                o_v.at[slot],
                out_hbm.at[wid, 0, :, pl.ds(ci * rows, rows), :], out_sem)

        def compute(slot):
            def row_body(r, _):
                def vec_body(i, _):
                    v = x_v[slot, r, pl.ds(i * _LANES, _LANES)]
                    o_v[slot, 0, r, pl.ds(i * _LANES, _LANES)] = v
                    o_v[slot, 1, r, pl.ds(i * _LANES, _LANES)] = v
                    o_v[slot, 2, r, pl.ds(i * _LANES, _LANES)] = v
                    o_v[slot, 3, r, pl.ds(i * _LANES, _LANES)] = v
                    return 0

                lax.fori_loop(0, vecs_per_row, vec_body, 0, unroll=4)
                return 0

            lax.fori_loop(0, rows, row_body, 0)

        load_desc(0, 0).start()
        load_desc(0, 0).wait()

        def chunk_body(ci, _):
            slot = lax.rem(ci, 2)

            @pl.when(ci + 1 < n_chunks)
            def _():
                load_desc(ci + 1, 1 - slot).start()

            @pl.when(ci >= 2)
            def _():
                store_desc(ci - 2, slot).wait()

            compute(slot)
            store_desc(ci, slot).start()

            @pl.when(ci + 1 < n_chunks)
            def _():
                load_desc(ci + 1, 1 - slot).wait()

            return 0

        lax.fori_loop(0, n_chunks, chunk_body, 0)
        store_desc(n_chunks - 2, lax.rem(n_chunks - 2, 2)).wait()
        store_desc(n_chunks - 1, lax.rem(n_chunks - 1, 2)).wait()

    return one_hot_sc


def kernel(x):
    n_batch, seq, height, width = x.shape
    one_hot_sc = _build_sc_kernel(n_batch, height, width, rows=16)
    return one_hot_sc(x)

# --- scband reference (transcript-rebuilt; emitter-appended) ---
"""Pipeline reference for scband-persistence-12197707120666 (READ-ONLY COPY).

The authoritative reference and input builder live on the scoring server;
editing this copy changes nothing except your own understanding.
"""

import jax, jax.numpy as jnp
import numpy as np

NUM_CLASSES = 4

def setup_inputs(seed: int = 0) -> dict:
    key = jax.random.key(seed)
    x = jax.random.normal(key, (32, 1, 512, 512), dtype=jnp.float32)
    return {"x": x}

def reference(x):
    b_size, seq, height, width = x.shape
    assert seq == 1
    zero_out = jnp.zeros(x.shape, dtype=jnp.int32)
    one_out = jnp.ones(x.shape, dtype=jnp.int32)
    two_out = jnp.ones(x.shape, dtype=jnp.int32) * 2
    three_out = jnp.ones(x.shape, dtype=jnp.int32) * 3
    cls = jnp.where(x < 0.1, zero_out, jnp.where(x < 1.0, one_out, jnp.where(x < 2.5, two_out, three_out)))
    # torch scatter_(dim=1, index=cls, src=1) with index shape (b,1,h,w):
    # out[b, cls[b,0,h,w], h, w] = 1
    out = jnp.zeros((b_size, NUM_CLASSES, height, width), dtype=jnp.float32)
    b_idx = jnp.arange(b_size)[:, None, None, None]
    h_idx = jnp.arange(height)[None, None, :, None]
    w_idx = jnp.arange(width)[None, None, None, :]
    out = out.at[b_idx, cls, h_idx, w_idx].set(1.0)
    out = out[:, None, :, :, :].astype(jnp.float32)
    return out

if __name__ == "__main__":
    import jax
    _d = setup_inputs()
    print(jax.jit(kernel)(*tuple(_d.values())))

</pallas_src>

<mosaic_0001>
#map = affine_map<(d0, d1) -> (0, 0, 0, 0)>
#map1 = affine_map<(d0, d1) -> (0, 0, 0, 0, 0)>
module attributes {stable_mosaic.version = 14 : i64} {
  func.func @one_hot_sc(%arg0: i32, %arg1: i32, %arg2: memref<32x1x512x512xf32, #tpu.memory_space<hbm>>, %arg3: memref<32x1x4x512x512xf32, #tpu.memory_space<hbm>>, %arg4: memref<2x16x512xf32, #tpu.memory_space<vmem>>, %arg5: memref<2x4x16x512xf32, #tpu.memory_space<vmem>>, %arg6: memref<!tpu.dma_semaphore, #tpu.memory_space<semaphore_mem>>, %arg7: memref<!tpu.dma_semaphore, #tpu.memory_space<semaphore_mem>>) attributes {dimension_semantics = [#tpu.dimension_semantics<core_parallel>, #tpu.dimension_semantics<subcore_parallel>], iteration_bounds = array<i64: 2, 16>, scalar_prefetch = 0 : i64, scratch_operands = 4 : i64, tpu.core_type = #tpu.core_type<sc_vector_subcore>, window_params = [{transform_indices = #map}, {transform_indices = #map1}]} {
    %mul3A = arith.constant 2 : i32
    %mul3A_0 = arith.muli %arg1, %mul3A : i32
    %add3A = arith.addi %mul3A_0, %arg0 : i32
    %dma_start3A = arith.constant 0 : i32
    %dma_start3A_1 = arith.constant 0 : i32
    %dma_start3A_2 = arith.constant 0 : i32
    %dma_start3A_3 = arith.constant 0 : i32
    %dma_start3A_4 = tpu.memref_slice %arg4[%dma_start3A_1, %dma_start3A_2, %dma_start3A_3] : memref<2x16x512xf32, #tpu.memory_space<vmem>> -> memref<1x16x512xf32, #tpu.memory_space<vmem>>
    %dma_start3A_5 = tpu.memref_squeeze %dma_start3A_4 : memref<1x16x512xf32, #tpu.memory_space<vmem>> -> memref<16x512xf32, #tpu.memory_space<vmem>>
    %dma_start3A_6 = arith.constant 0 : i32
    %dma_start3A_7 = arith.constant 0 : i32
    %dma_start3A_8 = tpu.memref_slice %arg2[%add3A, %dma_start3A, %dma_start3A_6, %dma_start3A_7] : memref<32x1x512x512xf32, #tpu.memory_space<hbm>> -> memref<1x1x16x512xf32, #tpu.memory_space<hbm>>
    %dma_start3A_9 = tpu.memref_squeeze %dma_start3A_8 : memref<1x1x16x512xf32, #tpu.memory_space<hbm>> -> memref<16x512xf32, #tpu.memory_space<hbm>>
    %dma_start3A_10 = arith.constant 0 : i32
    %dma_start3A_11 = arith.constant 0 : i32
    %dma_start3A_12 = tpu.memref_slice %arg4[%dma_start3A_1, %dma_start3A_10, %dma_start3A_11] : memref<2x16x512xf32, #tpu.memory_space<vmem>> -> memref<1x16x512xf32, #tpu.memory_space<vmem>>
    %dma_start3A_13 = tpu.memref_squeeze %dma_start3A_12 : memref<1x16x512xf32, #tpu.memory_space<vmem>> -> memref<16x512xf32, #tpu.memory_space<vmem>>
    %dma_start3A_14 = arith.constant 0 : i32
    %dma_start3A_15 = arith.constant 0 : i32
    %dma_start3A_16 = tpu.memref_slice %arg2[%add3A, %dma_start3A, %dma_start3A_14, %dma_start3A_15] : memref<32x1x512x512xf32, #tpu.memory_space<hbm>> -> memref<1x1x16x512xf32, #tpu.memory_space<hbm>>
    %dma_start3A_17 = tpu.memref_squeeze %dma_start3A_16 : memref<1x1x16x512xf32, #tpu.memory_space<hbm>> -> memref<16x512xf32, #tpu.memory_space<hbm>>
    tpu.enqueue_dma source(%dma_start3A_17 : memref<16x512xf32, #tpu.memory_space<hbm>>) target(%dma_start3A_13 : memref<16x512xf32, #tpu.memory_space<vmem>>) target_semaphore(%arg6 : memref<!tpu.dma_semaphore, #tpu.memory_space<semaphore_mem>>)
    %dma_wait3A = arith.constant 0 : i32
    %dma_wait3A_18 = arith.constant 0 : i32
    %dma_wait3A_19 = arith.constant 0 : i32
    %dma_wait3A_20 = arith.constant 0 : i32
    %dma_wait3A_21 = tpu.memref_slice %arg4[%dma_wait3A_18, %dma_wait3A_19, %dma_wait3A_20] : memref<2x16x512xf32, #tpu.memory_space<vmem>> -> memref<1x16x512xf32, #tpu.memory_space<vmem>>
    %dma_wait3A_22 = tpu.memref_squeeze %dma_wait3A_21 : memref<1x16x512xf32, #tpu.memory_space<vmem>> -> memref<16x512xf32, #tpu.memory_space<vmem>>
    %dma_wait3A_23 = arith.constant 0 : i32
    %dma_wait3A_24 = arith.constant 0 : i32
    %dma_wait3A_25 = tpu.memref_slice %arg2[%add3A, %dma_wait3A, %dma_wait3A_23, %dma_wait3A_24] : memref<32x1x512x512xf32, #tpu.memory_space<hbm>> -> memref<1x1x16x512xf32, #tpu.memory_space<hbm>>
    %dma_wait3A_26 = tpu.memref_squeeze %dma_wait3A_25 : memref<1x1x16x512xf32, #tpu.memory_space<hbm>> -> memref<16x512xf32, #tpu.memory_space<hbm>>
    %dma_wait3A_27 = arith.constant 0 : i32
    %dma_wait3A_28 = arith.constant 0 : i32
    %dma_wait3A_29 = tpu.memref_slice %arg4[%dma_wait3A_18, %dma_wait3A_27, %dma_wait3A_28] : memref<2x16x512xf32, #tpu.memory_space<vmem>> -> memref<1x16x512xf32, #tpu.memory_space<vmem>>
    %dma_wait3A_30 = tpu.memref_squeeze %dma_wait3A_29 : memref<1x16x512xf32, #tpu.memory_space<vmem>> -> memref<16x512xf32, #tpu.memory_space<vmem>>
    %dma_wait3A_31 = arith.constant 0 : i32
    %dma_wait3A_32 = arith.constant 0 : i32
    %dma_wait3A_33 = tpu.memref_slice %arg2[%add3A, %dma_wait3A, %dma_wait3A_31, %dma_wait3A_32] : memref<32x1x512x512xf32, #tpu.memory_space<hbm>> -> memref<1x1x16x512xf32, #tpu.memory_space<hbm>>
    %dma_wait3A_34 = tpu.memref_squeeze %dma_wait3A_33 : memref<1x1x16x512xf32, #tpu.memory_space<hbm>> -> memref<16x512xf32, #tpu.memory_space<hbm>>
    tpu.wait_dma2 semaphore(%arg6 : memref<!tpu.dma_semaphore, #tpu.memory_space<semaphore_mem>>) src(%dma_wait3A_34 : memref<16x512xf32, #tpu.memory_space<hbm>>) dst(%dma_wait3A_30 : memref<16x512xf32, #tpu.memory_space<vmem>>)
    %scan3A = arith.constant 0 : i32
    %scan3A_35 = arith.constant 0 : i32
    %scan3A_36 = arith.constant 32 : i32
    %scan3A_37 = arith.addi %scan3A_35, %scan3A_36 : i32
    %scan3A_38 = arith.constant 1 : i32
    %scan3A_39 = scf.for %scan3A_88 = %scan3A_35 to %scan3A_37 step %scan3A_38 iter_args(%scan3A_89 = %scan3A) -> (i32)  : i32 {
      %rem3A_90 = arith.constant 2 : i32
      %rem3A_91 = arith.remsi %scan3A_88, %rem3A_90 : i32
      %add3A_92 = arith.constant 1 : i32
      %add3A_93 = arith.addi %scan3A_88, %add3A_92 : i32
      %lt3A = arith.constant 32 : i32
      %lt3A_94 = arith.cmpi slt, %add3A_93, %lt3A : i32
      %convert_element_type3A = arith.extui %lt3A_94 : i1 to i32
      %cond3A = arith.constant 0 : i32
      %cond3A_95 = arith.cmpi ne, %convert_element_type3A, %cond3A : i32
      scf.if %cond3A_95 {
        %add3A_136 = arith.constant 1 : i32
        %add3A_137 = arith.addi %scan3A_88, %add3A_136 : i32
        %sub3A = arith.constant 1 : i32
        %sub3A_138 = arith.subi %sub3A, %rem3A_91 : i32
        %mul3A_139 = arith.constant 16 : i32
        %mul3A_140 = arith.muli %add3A_137, %mul3A_139 : i32
        %dma_start3A_141 = arith.constant 0 : i32
        %dma_start3A_142 = arith.constant 0 : i32
        %dma_start3A_143 = arith.constant 0 : i32
        %dma_start3A_144 = tpu.memref_slice %arg4[%sub3A_138, %dma_start3A_142, %dma_start3A_143] : memref<2x16x512xf32, #tpu.memory_space<vmem>> -> memref<1x16x512xf32, #tpu.memory_space<vmem>>
        %dma_start3A_145 = tpu.memref_squeeze %dma_start3A_144 : memref<1x16x512xf32, #tpu.memory_space<vmem>> -> memref<16x512xf32, #tpu.memory_space<vmem>>
        %dma_start3A_146 = arith.constant 0 : i32
        %dma_start3A_147 = tpu.memref_slice %arg2[%add3A, %dma_start3A_141, %mul3A_140, %dma_start3A_146] : memref<32x1x512x512xf32, #tpu.memory_space<hbm>> -> memref<1x1x16x512xf32, #tpu.memory_space<hbm>>
        %dma_start3A_148 = tpu.memref_squeeze %dma_start3A_147 : memref<1x1x16x512xf32, #tpu.memory_space<hbm>> -> memref<16x512xf32, #tpu.memory_space<hbm>>
        %dma_start3A_149 = arith.constant 0 : i32
        %dma_start3A_150 = arith.constant 0 : i32
        %dma_start3A_151 = tpu.memref_slice %arg4[%sub3A_138, %dma_start3A_149, %dma_start3A_150] : memref<2x16x512xf32, #tpu.memory_space<vmem>> -> memref<1x16x512xf32, #tpu.memory_space<vmem>>
        %dma_start3A_152 = tpu.memref_squeeze %dma_start3A_151 : memref<1x16x512xf32, #tpu.memory_space<vmem>> -> memref<16x512xf32, #tpu.memory_space<vmem>>
        %dma_start3A_153 = arith.constant 0 : i32
        %dma_start3A_154 = tpu.memref_slice %arg2[%add3A, %dma_start3A_141, %mul3A_140, %dma_start3A_153] : memref<32x1x512x512xf32, #tpu.memory_space<hbm>> -> memref<1x1x16x512xf32, #tpu.memory_space<hbm>>
        %dma_start3A_155 = tpu.memref_squeeze %dma_start3A_154 : memref<1x1x16x512xf32, #tpu.memory_space<hbm>> -> memref<16x512xf32, #tpu.memory_space<hbm>>
        tpu.enqueue_dma source(%dma_start3A_155 : memref<16x512xf32, #tpu.memory_space<hbm>>) target(%dma_start3A_152 : memref<16x512xf32, #tpu.memory_space<vmem>>) target_semaphore(%arg6 : memref<!tpu.dma_semaphore, #tpu.memory_space<semaphore_mem>>)
      } else {
      }
      %ge3A = arith.constant 2 : i32
      %ge3A_96 = arith.cmpi sge, %scan3A_88, %ge3A : i32
      %convert_element_type3A_97 = arith.extui %ge3A_96 : i1 to i32
      %cond3A_98 = arith.constant 0 : i32
      %cond3A_99 = arith.cmpi ne, %convert_element_type3A_97, %cond3A_98 : i32
      scf.if %cond3A_99 {
        %sub3A = arith.constant 2 : i32
        %sub3A_136 = arith.subi %scan3A_88, %sub3A : i32
        %mul3A_137 = arith.constant 16 : i32
        %mul3A_138 = arith.muli %sub3A_136, %mul3A_137 : i32
        %dma_wait3A_139 = arith.constant 0 : i32
        %dma_wait3A_140 = arith.constant 0 : i32
        %dma_wait3A_141 = arith.constant 0 : i32
        %dma_wait3A_142 = arith.constant 0 : i32
        %dma_wait3A_143 = tpu.memref_slice %arg5[%rem3A_91, %dma_wait3A_140, %dma_wait3A_141, %dma_wait3A_142] : memref<2x4x16x512xf32, #tpu.memory_space<vmem>> -> memref<1x4x16x512xf32, #tpu.memory_space<vmem>>
        %dma_wait3A_144 = tpu.memref_squeeze %dma_wait3A_143 : memref<1x4x16x512xf32, #tpu.memory_space<vmem>> -> memref<4x16x512xf32, #tpu.memory_space<vmem>>
        %dma_wait3A_145 = arith.constant 0 : i32
        %dma_wait3A_146 = arith.constant 0 : i32
        %dma_wait3A_147 = tpu.memref_slice %arg3[%add3A, %dma_wait3A_139, %dma_wait3A_145, %mul3A_138, %dma_wait3A_146] : memref<32x1x4x512x512xf32, #tpu.memory_space<hbm>> -> memref<1x1x4x16x512xf32, #tpu.memory_space<hbm>>
        %dma_wait3A_148 = tpu.memref_squeeze %dma_wait3A_147 : memref<1x1x4x16x512xf32, #tpu.memory_space<hbm>> -> memref<4x16x512xf32, #tpu.memory_space<hbm>>
        %dma_wait3A_149 = arith.constant 0 : i32
        %dma_wait3A_150 = arith.constant 0 : i32
        %dma_wait3A_151 = tpu.memref_slice %arg3[%add3A, %dma_wait3A_139, %dma_wait3A_149, %mul3A_138, %dma_wait3A_150] : memref<32x1x4x512x512xf32, #tpu.memory_space<hbm>> -> memref<1x1x4x16x512xf32, #tpu.memory_space<hbm>>
        %dma_wait3A_152 = tpu.memref_squeeze %dma_wait3A_151 : memref<1x1x4x16x512xf32, #tpu.memory_space<hbm>> -> memref<4x16x512xf32, #tpu.memory_space<hbm>>
        %dma_wait3A_153 = arith.constant 0 : i32
        %dma_wait3A_154 = arith.constant 0 : i32
        %dma_wait3A_155 = arith.constant 0 : i32
        %dma_wait3A_156 = tpu.memref_slice %arg5[%rem3A_91, %dma_wait3A_153, %dma_wait3A_154, %dma_wait3A_155] : memref<2x4x16x512xf32, #tpu.memory_space<vmem>> -> memref<1x4x16x512xf32, #tpu.memory_space<vmem>>
        %dma_wait3A_157 = tpu.memref_squeeze %dma_wait3A_156 : memref<1x4x16x512xf32, #tpu.memory_space<vmem>> -> memref<4x16x512xf32, #tpu.memory_space<vmem>>
        tpu.wait_dma2 semaphore(%arg7 : memref<!tpu.dma_semaphore, #tpu.memory_space<semaphore_mem>>) src(%dma_wait3A_157 : memref<4x16x512xf32, #tpu.memory_space<vmem>>) dst(%dma_wait3A_152 : memref<4x16x512xf32, #tpu.memory_space<hbm>>)
      } else {
      }
      %scan3A_100 = arith.constant 0 : i32
      %scan3A_101 = arith.constant 0 : i32
      %scan3A_102 = arith.constant 16 : i32
      %scan3A_103 = arith.addi %scan3A_101, %scan3A_102 : i32
      %scan3A_104 = arith.constant 1 : i32
      %scan3A_105 = scf.for %scan3A_136 = %scan3A_101 to %scan3A_103 step %scan3A_104 iter_args(%scan3A_137 = %scan3A_100) -> (i32)  : i32 {
        %scan3A_138 = arith.constant 0 : i32
        %scan3A_139 = arith.constant 0 : i32
        %scan3A_140 = arith.constant 32 : i32
        %scan3A_141 = arith.addi %scan3A_139, %scan3A_140 : i32
        %scan3A_142 = arith.constant 4 : i32
        %scan3A_143 = scf.for %scan3A_146 = %scan3A_139 to %scan3A_141 step %scan3A_142 iter_args(%scan3A_147 = %scan3A_138) -> (i32)  : i32 {
          %mul3A_148 = arith.constant 16 : i32
          %mul3A_149 = arith.muli %scan3A_146, %mul3A_148 : i32
          %get3A = arith.index_cast %rem3A_91 : i32 to index
          %get3A_150 = arith.index_cast %scan3A_136 : i32 to index
          %get3A_151 = arith.index_cast %mul3A_149 : i32 to index
          %get3A_152 = tpu.vector_load %arg4[%get3A, %get3A_150, %get3A_151] {strides = array<i32>} : memref<2x16x512xf32, #tpu.memory_space<vmem>>, vector<1x1x16xf32>,
          %get3A_153 = vector.shape_cast %get3A_152 : vector<1x1x16xf32> to vector<16xf32>
          %mul3A_154 = arith.constant 16 : i32
          %mul3A_155 = arith.muli %scan3A_146, %mul3A_154 : i32
          %swap3A = arith.constant 0 : i32
          %swap3A_156 = arith.index_cast %rem3A_91 : i32 to index
          %swap3A_157 = arith.index_cast %swap3A : i32 to index
          %swap3A_158 = arith.index_cast %scan3A_136 : i32 to index
          %swap3A_159 = arith.index_cast %mul3A_155 : i32 to index
          %swap3A_160 = tpu.vector_load %arg5[%swap3A_156, %swap3A_157, %swap3A_158, %swap3A_159] {strides = array<i32>} : memref<2x4x16x512xf32, #tpu.memory_space<vmem>>, vector<1x1x1x16xf32>,
          %swap3A_161 = vector.shape_cast %swap3A_160 : vector<1x1x1x16xf32> to vector<16xf32>
          %swap3A_162 = vector.shape_cast %get3A_153 : vector<16xf32> to vector<1x1x1x16xf32>
          tpu.vector_store %arg5[%swap3A_156, %swap3A_157, %swap3A_158, %swap3A_159], %swap3A_162 {strides = array<i32>} : memref<2x4x16x512xf32, #tpu.memory_space<vmem>>, vector<1x1x1x16xf32>,
          %mul3A_163 = arith.constant 16 : i32
          %mul3A_164 = arith.muli %scan3A_146, %mul3A_163 : i32
          %swap3A_165 = arith.constant 1 : i32
          %swap3A_166 = arith.index_cast %rem3A_91 : i32 to index
          %swap3A_167 = arith.index_cast %swap3A_165 : i32 to index
          %swap3A_168 = arith.index_cast %scan3A_136 : i32 to index
          %swap3A_169 = arith.index_cast %mul3A_164 : i32 to index
          %swap3A_170 = tpu.vector_load %arg5[%swap3A_166, %swap3A_167, %swap3A_168, %swap3A_169] {strides = array<i32>} : memref<2x4x16x512xf32, #tpu.memory_space<vmem>>, vector<1x1x1x16xf32>,
          %swap3A_171 = vector.shape_cast %swap3A_170 : vector<1x1x1x16xf32> to vector<16xf32>
          %swap3A_172 = vector.shape_cast %get3A_153 : vector<16xf32> to vector<1x1x1x16xf32>
          tpu.vector_store %arg5[%swap3A_166, %swap3A_167, %swap3A_168, %swap3A_169], %swap3A_172 {strides = array<i32>} : memref<2x4x16x512xf32, #tpu.memory_space<vmem>>, vector<1x1x1x16xf32>,
          %mul3A_173 = arith.constant 16 : i32
          %mul3A_174 = arith.muli %scan3A_146, %mul3A_173 : i32
          %swap3A_175 = arith.constant 2 : i32
          %swap3A_176 = arith.index_cast %rem3A_91 : i32 to index
          %swap3A_177 = arith.index_cast %swap3A_175 : i32 to index
          %swap3A_178 = arith.index_cast %scan3A_136 : i32 to index
          %swap3A_179 = arith.index_cast %mul3A_174 : i32 to index
          %swap3A_180 = tpu.vector_load %arg5[%swap3A_176, %swap3A_177, %swap3A_178, %swap3A_179] {strides = array<i32>} : memref<2x4x16x512xf32, #tpu.memory_space<vmem>>, vector<1x1x1x16xf32>,
          %swap3A_181 = vector.shape_cast %swap3A_180 : vector<1x1x1x16xf32> to vector<16xf32>
          %swap3A_182 = vector.shape_cast %get3A_153 : vector<16xf32> to vector<1x1x1x16xf32>
          tpu.vector_store %arg5[%swap3A_176, %swap3A_177, %swap3A_178, %swap3A_179], %swap3A_182 {strides = array<i32>} : memref<2x4x16x512xf32, #tpu.memory_space<vmem>>, vector<1x1x1x16xf32>,
          %mul3A_183 = arith.constant 16 : i32
          %mul3A_184 = arith.muli %scan3A_146, %mul3A_183 : i32
          %swap3A_185 = arith.constant 3 : i32
          %swap3A_186 = arith.index_cast %rem3A_91 : i32 to index
          %swap3A_187 = arith.index_cast %swap3A_185 : i32 to index
          %swap3A_188 = arith.index_cast %scan3A_136 : i32 to index
          %swap3A_189 = arith.index_cast %mul3A_184 : i32 to index
          %swap3A_190 = tpu.vector_load %arg5[%swap3A_186, %swap3A_187, %swap3A_188, %swap3A_189] {strides = array<i32>} : memref<2x4x16x512xf32, #tpu.memory_space<vmem>>, vector<1x1x1x16xf32>,
          %swap3A_191 = vector.shape_cast %swap3A_190 : vector<1x1x1x16xf32> to vector<16xf32>
          %swap3A_192 = vector.shape_cast %get3A_153 : vector<16xf32> to vector<1x1x1x16xf32>
          tpu.vector_store %arg5[%swap3A_186, %swap3A_187, %swap3A_188, %swap3A_189], %swap3A_192 {strides = array<i32>} : memref<2x4x16x512xf32, #tpu.memory_space<vmem>>, vector<1x1x1x16xf32>,
          %scan3A_193 = arith.constant 0 : i32
          %scan3A_194 = arith.constant 1 : i32
          %scan3A_195 = arith.addi %scan3A_146, %scan3A_194 : i32
          %mul3A_196 = arith.constant 16 : i32
          %mul3A_197 = arith.muli %scan3A_195, %mul3A_196 : i32
          %get3A_198 = arith.index_cast %rem3A_91 : i32 to index
          %get3A_199 = arith.index_cast %scan3A_136 : i32 to index
          %get3A_200 = arith.index_cast %mul3A_197 : i32 to index
          %get3A_201 = tpu.vector_load %arg4[%get3A_198, %get3A_199, %get3A_200] {strides = array<i32>} : memref<2x16x512xf32, #tpu.memory_space<vmem>>, vector<1x1x16xf32>,
          %get3A_202 = vector.shape_cast %get3A_201 : vector<1x1x16xf32> to vector<16xf32>
          %mul3A_203 = arith.constant 16 : i32
          %mul3A_204 = arith.muli %scan3A_195, %mul3A_203 : i32
          %swap3A_205 = arith.constant 0 : i32
          %swap3A_206 = arith.index_cast %rem3A_91 : i32 to index
          %swap3A_207 = arith.index_cast %swap3A_205 : i32 to index
          %swap3A_208 = arith.index_cast %scan3A_136 : i32 to index
          %swap3A_209 = arith.index_cast %mul3A_204 : i32 to index
          %swap3A_210 = tpu.vector_load %arg5[%swap3A_206, %swap3A_207, %swap3A_208, %swap3A_209] {strides = array<i32>} : memref<2x4x16x512xf32, #tpu.memory_space<vmem>>, vector<1x1x1x16xf32>,
          %swap3A_211 = vector.shape_cast %swap3A_210 : vector<1x1x1x16xf32> to vector<16xf32>
          %swap3A_212 = vector.shape_cast %get3A_202 : vector<16xf32> to vector<1x1x1x16xf32>
          tpu.vector_store %arg5[%swap3A_206, %swap3A_207, %swap3A_208, %swap3A_209], %swap3A_212 {strides = array<i32>} : memref<2x4x16x512xf32, #tpu.memory_space<vmem>>, vector<1x1x1x16xf32>,
          %mul3A_213 = arith.constant 16 : i32
          %mul3A_214 = arith.muli %scan3A_195, %mul3A_213 : i32
          %swap3A_215 = arith.constant 1 : i32
          %swap3A_216 = arith.index_cast %rem3A_91 : i32 to index
          %swap3A_217 = arith.index_cast %swap3A_215 : i32 to index
          %swap3A_218 = arith.index_cast %scan3A_136 : i32 to index
          %swap3A_219 = arith.index_cast %mul3A_214 : i32 to index
          %swap3A_220 = tpu.vector_load %arg5[%swap3A_216, %swap3A_217, %swap3A_218, %swap3A_219] {strides = array<i32>} : memref<2x4x16x512xf32, #tpu.memory_space<vmem>>, vector<1x1x1x16xf32>,
          %swap3A_221 = vector.shape_cast %swap3A_220 : vector<1x1x1x16xf32> to vector<16xf32>
          %swap3A_222 = vector.shape_cast %get3A_202 : vector<16xf32> to vector<1x1x1x16xf32>
          tpu.vector_store %arg5[%swap3A_216, %swap3A_217, %swap3A_218, %swap3A_219], %swap3A_222 {strides = array<i32>} : memref<2x4x16x512xf32, #tpu.memory_space<vmem>>, vector<1x1x1x16xf32>,
          %mul3A_223 = arith.constant 16 : i32
          %mul3A_224 = arith.muli %scan3A_195, %mul3A_223 : i32
          %swap3A_225 = arith.constant 2 : i32
          %swap3A_226 = arith.index_cast %rem3A_91 : i32 to index
          %swap3A_227 = arith.index_cast %swap3A_225 : i32 to index
          %swap3A_228 = arith.index_cast %scan3A_136 : i32 to index
          %swap3A_229 = arith.index_cast %mul3A_224 : i32 to index
          %swap3A_230 = tpu.vector_load %arg5[%swap3A_226, %swap3A_227, %swap3A_228, %swap3A_229] {strides = array<i32>} : memref<2x4x16x512xf32, #tpu.memory_space<vmem>>, vector<1x1x1x16xf32>,
          %swap3A_231 = vector.shape_cast %swap3A_230 : vector<1x1x1x16xf32> to vector<16xf32>
          %swap3A_232 = vector.shape_cast %get3A_202 : vector<16xf32> to vector<1x1x1x16xf32>
          tpu.vector_store %arg5[%swap3A_226, %swap3A_227, %swap3A_228, %swap3A_229], %swap3A_232 {strides = array<i32>} : memref<2x4x16x512xf32, #tpu.memory_space<vmem>>, vector<1x1x1x16xf32>,
          %mul3A_233 = arith.constant 16 : i32
          %mul3A_234 = arith.muli %scan3A_195, %mul3A_233 : i32
          %swap3A_235 = arith.constant 3 : i32
          %swap3A_236 = arith.index_cast %rem3A_91 : i32 to index
          %swap3A_237 = arith.index_cast %swap3A_235 : i32 to index
          %swap3A_238 = arith.index_cast %scan3A_136 : i32 to index
          %swap3A_239 = arith.index_cast %mul3A_234 : i32 to index
          %swap3A_240 = tpu.vector_load %arg5[%swap3A_236, %swap3A_237, %swap3A_238, %swap3A_239] {strides = array<i32>} : memref<2x4x16x512xf32, #tpu.memory_space<vmem>>, vector<1x1x1x16xf32>,
          %swap3A_241 = vector.shape_cast %swap3A_240 : vector<1x1x1x16xf32> to vector<16xf32>
          %swap3A_242 = vector.shape_cast %get3A_202 : vector<16xf32> to vector<1x1x1x16xf32>
          tpu.vector_store %arg5[%swap3A_236, %swap3A_237, %swap3A_238, %swap3A_239], %swap3A_242 {strides = array<i32>} : memref<2x4x16x512xf32, #tpu.memory_space<vmem>>, vector<1x1x1x16xf32>,
          %scan3A_243 = arith.constant 0 : i32
          %scan3A_244 = arith.constant 2 : i32
          %scan3A_245 = arith.addi %scan3A_146, %scan3A_244 : i32
          %mul3A_246 = arith.constant 16 : i32
          %mul3A_247 = arith.muli %scan3A_245, %mul3A_246 : i32
          %get3A_248 = arith.index_cast %rem3A_91 : i32 to index
          %get3A_249 = arith.index_cast %scan3A_136 : i32 to index
          %get3A_250 = arith.index_cast %mul3A_247 : i32 to index
          %get3A_251 = tpu.vector_load %arg4[%get3A_248, %get3A_249, %get3A_250] {strides = array<i32>} : memref<2x16x512xf32, #tpu.memory_space<vmem>>, vector<1x1x16xf32>,
          %get3A_252 = vector.shape_cast %get3A_251 : vector<1x1x16xf32> to vector<16xf32>
          %mul3A_253 = arith.constant 16 : i32
          %mul3A_254 = arith.muli %scan3A_245, %mul3A_253 : i32
          %swap3A_255 = arith.constant 0 : i32
          %swap3A_256 = arith.index_cast %rem3A_91 : i32 to index
          %swap3A_257 = arith.index_cast %swap3A_255 : i32 to index
          %swap3A_258 = arith.index_cast %scan3A_136 : i32 to index
          %swap3A_259 = arith.index_cast %mul3A_254 : i32 to index
          %swap3A_260 = tpu.vector_load %arg5[%swap3A_256, %swap3A_257, %swap3A_258, %swap3A_259] {strides = array<i32>} : memref<2x4x16x512xf32, #tpu.memory_space<vmem>>, vector<1x1x1x16xf32>,
          %swap3A_261 = vector.shape_cast %swap3A_260 : vector<1x1x1x16xf32> to vector<16xf32>
          %swap3A_262 = vector.shape_cast %get3A_252 : vector<16xf32> to vector<1x1x1x16xf32>
          tpu.vector_store %arg5[%swap3A_256, %swap3A_257, %swap3A_258, %swap3A_259], %swap3A_262 {strides = array<i32>} : memref<2x4x16x512xf32, #tpu.memory_space<vmem>>, vector<1x1x1x16xf32>,
          %mul3A_263 = arith.constant 16 : i32
          %mul3A_264 = arith.muli %scan3A_245, %mul3A_263 : i32
          %swap3A_265 = arith.constant 1 : i32
          %swap3A_266 = arith.index_cast %rem3A_91 : i32 to index
          %swap3A_267 = arith.index_cast %swap3A_265 : i32 to index
          %swap3A_268 = arith.index_cast %scan3A_136 : i32 to index
          %swap3A_269 = arith.index_cast %mul3A_264 : i32 to index
          %swap3A_270 = tpu.vector_load %arg5[%swap3A_266, %swap3A_267, %swap3A_268, %swap3A_269] {strides = array<i32>} : memref<2x4x16x512xf32, #tpu.memory_space<vmem>>, vector<1x1x1x16xf32>,
          %swap3A_271 = vector.shape_cast %swap3A_270 : vector<1x1x1x16xf32> to vector<16xf32>
          %swap3A_272 = vector.shape_cast %get3A_252 : vector<16xf32> to vector<1x1x1x16xf32>
          tpu.vector_store %arg5[%swap3A_266, %swap3A_267, %swap3A_268, %swap3A_269], %swap3A_272 {strides = array<i32>} : memref<2x4x16x512xf32, #tpu.memory_space<vmem>>, vector<1x1x1x16xf32>,
          %mul3A_273 = arith.constant 16 : i32
          %mul3A_274 = arith.muli %scan3A_245, %mul3A_273 : i32
          %swap3A_275 = arith.constant 2 : i32
          %swap3A_276 = arith.index_cast %rem3A_91 : i32 to index
          %swap3A_277 = arith.index_cast %swap3A_275 : i32 to index
          %swap3A_278 = arith.index_cast %scan3A_136 : i32 to index
          %swap3A_279 = arith.index_cast %mul3A_274 : i32 to index
          %swap3A_280 = tpu.vector_load %arg5[%swap3A_276, %swap3A_277, %swap3A_278, %swap3A_279] {strides = array<i32>} : memref<2x4x16x512xf32, #tpu.memory_space<vmem>>, vector<1x1x1x16xf32>,
          %swap3A_281 = vector.shape_cast %swap3A_280 : vector<1x1x1x16xf32> to vector<16xf32>
          %swap3A_282 = vector.shape_cast %get3A_252 : vector<16xf32> to vector<1x1x1x16xf32>
          tpu.vector_store %arg5[%swap3A_276, %swap3A_277, %swap3A_278, %swap3A_279], %swap3A_282 {strides = array<i32>} : memref<2x4x16x512xf32, #tpu.memory_space<vmem>>, vector<1x1x1x16xf32>,
          %mul3A_283 = arith.constant 16 : i32
          %mul3A_284 = arith.muli %scan3A_245, %mul3A_283 : i32
          %swap3A_285 = arith.constant 3 : i32
          %swap3A_286 = arith.index_cast %rem3A_91 : i32 to index
          %swap3A_287 = arith.index_cast %swap3A_285 : i32 to index
          %swap3A_288 = arith.index_cast %scan3A_136 : i32 to index
          %swap3A_289 = arith.index_cast %mul3A_284 : i32 to index
          %swap3A_290 = tpu.vector_load %arg5[%swap3A_286, %swap3A_287, %swap3A_288, %swap3A_289] {strides = array<i32>} : memref<2x4x16x512xf32, #tpu.memory_space<vmem>>, vector<1x1x1x16xf32>,
          %swap3A_291 = vector.shape_cast %swap3A_290 : vector<1x1x1x16xf32> to vector<16xf32>
          %swap3A_292 = vector.shape_cast %get3A_252 : vector<16xf32> to vector<1x1x1x16xf32>
          tpu.vector_store %arg5[%swap3A_286, %swap3A_287, %swap3A_288, %swap3A_289], %swap3A_292 {strides = array<i32>} : memref<2x4x16x512xf32, #tpu.memory_space<vmem>>, vector<1x1x1x16xf32>,
          %scan3A_293 = arith.constant 0 : i32
          %scan3A_294 = arith.constant 3 : i32
          %scan3A_295 = arith.addi %scan3A_146, %scan3A_294 : i32
          %mul3A_296 = arith.constant 16 : i32
          %mul3A_297 = arith.muli %scan3A_295, %mul3A_296 : i32
          %get3A_298 = arith.index_cast %rem3A_91 : i32 to index
          %get3A_299 = arith.index_cast %scan3A_136 : i32 to index
          %get3A_300 = arith.index_cast %mul3A_297 : i32 to index
          %get3A_301 = tpu.vector_load %arg4[%get3A_298, %get3A_299, %get3A_300] {strides = array<i32>} : memref<2x16x512xf32, #tpu.memory_space<vmem>>, vector<1x1x16xf32>,
          %get3A_302 = vector.shape_cast %get3A_301 : vector<1x1x16xf32> to vector<16xf32>
          %mul3A_303 = arith.constant 16 : i32
          %mul3A_304 = arith.muli %scan3A_295, %mul3A_303 : i32
          %swap3A_305 = arith.constant 0 : i32
          %swap3A_306 = arith.index_cast %rem3A_91 : i32 to index
          %swap3A_307 = arith.index_cast %swap3A_305 : i32 to index
          %swap3A_308 = arith.index_cast %scan3A_136 : i32 to index
          %swap3A_309 = arith.index_cast %mul3A_304 : i32 to index
          %swap3A_310 = tpu.vector_load %arg5[%swap3A_306, %swap3A_307, %swap3A_308, %swap3A_309] {strides = array<i32>} : memref<2x4x16x512xf32, #tpu.memory_space<vmem>>, vector<1x1x1x16xf32>,
          %swap3A_311 = vector.shape_cast %swap3A_310 : vector<1x1x1x16xf32> to vector<16xf32>
          %swap3A_312 = vector.shape_cast %get3A_302 : vector<16xf32> to vector<1x1x1x16xf32>
          tpu.vector_store %arg5[%swap3A_306, %swap3A_307, %swap3A_308, %swap3A_309], %swap3A_312 {strides = array<i32>} : memref<2x4x16x512xf32, #tpu.memory_space<vmem>>, vector<1x1x1x16xf32>,
          %mul3A_313 = arith.constant 16 : i32
          %mul3A_314 = arith.muli %scan3A_295, %mul3A_313 : i32
          %swap3A_315 = arith.constant 1 : i32
          %swap3A_316 = arith.index_cast %rem3A_91 : i32 to index
          %swap3A_317 = arith.index_cast %swap3A_315 : i32 to index
          %swap3A_318 = arith.index_cast %scan3A_136 : i32 to index
          %swap3A_319 = arith.index_cast %mul3A_314 : i32 to index
          %swap3A_320 = tpu.vector_load %arg5[%swap3A_316, %swap3A_317, %swap3A_318, %swap3A_319] {strides = array<i32>} : memref<2x4x16x512xf32, #tpu.memory_space<vmem>>, vector<1x1x1x16xf32>,
          %swap3A_321 = vector.shape_cast %swap3A_320 : vector<1x1x1x16xf32> to vector<16xf32>
          %swap3A_322 = vector.shape_cast %get3A_302 : vector<16xf32> to vector<1x1x1x16xf32>
          tpu.vector_store %arg5[%swap3A_316, %swap3A_317, %swap3A_318, %swap3A_319], %swap3A_322 {strides = array<i32>} : memref<2x4x16x512xf32, #tpu.memory_space<vmem>>, vector<1x1x1x16xf32>,
          %mul3A_323 = arith.constant 16 : i32
          %mul3A_324 = arith.muli %scan3A_295, %mul3A_323 : i32
          %swap3A_325 = arith.constant 2 : i32
          %swap3A_326 = arith.index_cast %rem3A_91 : i32 to index
          %swap3A_327 = arith.index_cast %swap3A_325 : i32 to index
          %swap3A_328 = arith.index_cast %scan3A_136 : i32 to index
          %swap3A_329 = arith.index_cast %mul3A_324 : i32 to index
          %swap3A_330 = tpu.vector_load %arg5[%swap3A_326, %swap3A_327, %swap3A_328, %swap3A_329] {strides = array<i32>} : memref<2x4x16x512xf32, #tpu.memory_space<vmem>>, vector<1x1x1x16xf32>,
          %swap3A_331 = vector.shape_cast %swap3A_330 : vector<1x1x1x16xf32> to vector<16xf32>
          %swap3A_332 = vector.shape_cast %get3A_302 : vector<16xf32> to vector<1x1x1x16xf32>
          tpu.vector_store %arg5[%swap3A_326, %swap3A_327, %swap3A_328, %swap3A_329], %swap3A_332 {strides = array<i32>} : memref<2x4x16x512xf32, #tpu.memory_space<vmem>>, vector<1x1x1x16xf32>,
          %mul3A_333 = arith.constant 16 : i32
          %mul3A_334 = arith.muli %scan3A_295, %mul3A_333 : i32
          %swap3A_335 = arith.constant 3 : i32
          %swap3A_336 = arith.index_cast %rem3A_91 : i32 to index
          %swap3A_337 = arith.index_cast %swap3A_335 : i32 to index
          %swap3A_338 = arith.index_cast %scan3A_136 : i32 to index
          %swap3A_339 = arith.index_cast %mul3A_334 : i32 to index
          %swap3A_340 = tpu.vector_load %arg5[%swap3A_336, %swap3A_337, %swap3A_338, %swap3A_339] {strides = array<i32>} : memref<2x4x16x512xf32, #tpu.memory_space<vmem>>, vector<1x1x1x16xf32>,
          %swap3A_341 = vector.shape_cast %swap3A_340 : vector<1x1x1x16xf32> to vector<16xf32>
          %swap3A_342 = vector.shape_cast %get3A_302 : vector<16xf32> to vector<1x1x1x16xf32>
          tpu.vector_store %arg5[%swap3A_336, %swap3A_337, %swap3A_338, %swap3A_339], %swap3A_342 {strides = array<i32>} : memref<2x4x16x512xf32, #tpu.memory_space<vmem>>, vector<1x1x1x16xf32>,
          %scan3A_343 = arith.constant 0 : i32
          scf.yield %scan3A_343 : i32
        }
        %scan3A_144 = arith.constant 32 : i32
        %scan3A_145 = arith.constant 0 : i32
        scf.yield %scan3A_145 : i32
      }
      %scan3A_106 = arith.constant 16 : i32
      %mul3A_107 = arith.constant 16 : i32
      %mul3A_108 = arith.muli %scan3A_88, %mul3A_107 : i32
      %dma_start3A_109 = arith.constant 0 : i32
      %dma_start3A_110 = arith.constant 0 : i32
      %dma_start3A_111 = arith.constant 0 : i32
      %dma_start3A_112 = arith.constant 0 : i32
      %dma_start3A_113 = tpu.memref_slice %arg5[%rem3A_91, %dma_start3A_110, %dma_start3A_111, %dma_start3A_112] : memref<2x4x16x512xf32, #tpu.memory_space<vmem>> -> memref<1x4x16x512xf32, #tpu.memory_space<vmem>>
      %dma_start3A_114 = tpu.memref_squeeze %dma_start3A_113 : memref<1x4x16x512xf32, #tpu.memory_space<vmem>> -> memref<4x16x512xf32, #tpu.memory_space<vmem>>
      %dma_start3A_115 = arith.constant 0 : i32
      %dma_start3A_116 = arith.constant 0 : i32
      %dma_start3A_117 = tpu.memref_slice %arg3[%add3A, %dma_start3A_109, %dma_start3A_115, %mul3A_108, %dma_start3A_116] : memref<32x1x4x512x512xf32, #tpu.memory_space<hbm>> -> memref<1x1x4x16x512xf32, #tpu.memory_space<hbm>>
      %dma_start3A_118 = tpu.memref_squeeze %dma_start3A_117 : memref<1x1x4x16x512xf32, #tpu.memory_space<hbm>> -> memref<4x16x512xf32, #tpu.memory_space<hbm>>
      %dma_start3A_119 = arith.constant 0 : i32
      %dma_start3A_120 = arith.constant 0 : i32
      %dma_start3A_121 = tpu.memref_slice %arg3[%add3A, %dma_start3A_109, %dma_start3A_119, %mul3A_108, %dma_start3A_120] : memref<32x1x4x512x512xf32, #tpu.memory_space<hbm>> -> memref<1x1x4x16x512xf32, #tpu.memory_space<hbm>>
      %dma_start3A_122 = tpu.memref_squeeze %dma_start3A_121 : memref<1x1x4x16x512xf32, #tpu.memory_space<hbm>> -> memref<4x16x512xf32, #tpu.memory_space<hbm>>
      %dma_start3A_123 = arith.constant 0 : i32
      %dma_start3A_124 = arith.constant 0 : i32
      %dma_start3A_125 = arith.constant 0 : i32
      %dma_start3A_126 = tpu.memref_slice %arg5[%rem3A_91, %dma_start3A_123, %dma_start3A_124, %dma_start3A_125] : memref<2x4x16x512xf32, #tpu.memory_space<vmem>> -> memref<1x4x16x512xf32, #tpu.memory_space<vmem>>
      %dma_start3A_127 = tpu.memref_squeeze %dma_start3A_126 : memref<1x4x16x512xf32, #tpu.memory_space<vmem>> -> memref<4x16x512xf32, #tpu.memory_space<vmem>>
      tpu.enqueue_dma source(%dma_start3A_127 : memref<4x16x512xf32, #tpu.memory_space<vmem>>) target(%dma_start3A_122 : memref<4x16x512xf32, #tpu.memory_space<hbm>>) target_semaphore(%arg7 : memref<!tpu.dma_semaphore, #tpu.memory_space<semaphore_mem>>)
      %add3A_128 = arith.constant 1 : i32
      %add3A_129 = arith.addi %scan3A_88, %add3A_128 : i32
      %lt3A_130 = arith.constant 32 : i32
      %lt3A_131 = arith.cmpi slt, %add3A_129, %lt3A_130 : i32
      %convert_element_type3A_132 = arith.extui %lt3A_131 : i1 to i32
      %cond3A_133 = arith.constant 0 : i32
      %cond3A_134 = arith.cmpi ne, %convert_element_type3A_132, %cond3A_133 : i32
      scf.if %cond3A_134 {
        %add3A_136 = arith.constant 1 : i32
        %add3A_137 = arith.addi %scan3A_88, %add3A_136 : i32
        %sub3A = arith.constant 1 : i32
        %sub3A_138 = arith.subi %sub3A, %rem3A_91 : i32
        %mul3A_139 = arith.constant 16 : i32
        %mul3A_140 = arith.muli %add3A_137, %mul3A_139 : i32
        %dma_wait3A_141 = arith.constant 0 : i32
        %dma_wait3A_142 = arith.constant 0 : i32
        %dma_wait3A_143 = arith.constant 0 : i32
        %dma_wait3A_144 = tpu.memref_slice %arg4[%sub3A_138, %dma_wait3A_142, %dma_wait3A_143] : memref<2x16x512xf32, #tpu.memory_space<vmem>> -> memref<1x16x512xf32, #tpu.memory_space<vmem>>
        %dma_wait3A_145 = tpu.memref_squeeze %dma_wait3A_144 : memref<1x16x512xf32, #tpu.memory_space<vmem>> -> memref<16x512xf32, #tpu.memory_space<vmem>>
        %dma_wait3A_146 = arith.constant 0 : i32
        %dma_wait3A_147 = tpu.memref_slice %arg2[%add3A, %dma_wait3A_141, %mul3A_140, %dma_wait3A_146] : memref<32x1x512x512xf32, #tpu.memory_space<hbm>> -> memref<1x1x16x512xf32, #tpu.memory_space<hbm>>
        %dma_wait3A_148 = tpu.memref_squeeze %dma_wait3A_147 : memref<1x1x16x512xf32, #tpu.memory_space<hbm>> -> memref<16x512xf32, #tpu.memory_space<hbm>>
        %dma_wait3A_149 = arith.constant 0 : i32
        %dma_wait3A_150 = arith.constant 0 : i32
        %dma_wait3A_151 = tpu.memref_slice %arg4[%sub3A_138, %dma_wait3A_149, %dma_wait3A_150] : memref<2x16x512xf32, #tpu.memory_space<vmem>> -> memref<1x16x512xf32, #tpu.memory_space<vmem>>
        %dma_wait3A_152 = tpu.memref_squeeze %dma_wait3A_151 : memref<1x16x512xf32, #tpu.memory_space<vmem>> -> memref<16x512xf32, #tpu.memory_space<vmem>>
        %dma_wait3A_153 = arith.constant 0 : i32
        %dma_wait3A_154 = tpu.memref_slice %arg2[%add3A, %dma_wait3A_141, %mul3A_140, %dma_wait3A_153] : memref<32x1x512x512xf32, #tpu.memory_space<hbm>> -> memref<1x1x16x512xf32, #tpu.memory_space<hbm>>
        %dma_wait3A_155 = tpu.memref_squeeze %dma_wait3A_154 : memref<1x1x16x512xf32, #tpu.memory_space<hbm>> -> memref<16x512xf32, #tpu.memory_space<hbm>>
        tpu.wait_dma2 semaphore(%arg6 : memref<!tpu.dma_semaphore, #tpu.memory_space<semaphore_mem>>) src(%dma_wait3A_155 : memref<16x512xf32, #tpu.memory_space<hbm>>) dst(%dma_wait3A_152 : memref<16x512xf32, #tpu.memory_space<vmem>>)
      } else {
      }
      %scan3A_135 = arith.constant 0 : i32
      scf.yield %scan3A_135 : i32
    }
    %scan3A_40 = arith.constant 32 : i32
    %rem3A = arith.constant 30 : i32
    %rem3A_41 = arith.constant 2 : i32
    %rem3A_42 = arith.remsi %rem3A, %rem3A_41 : i32
    %dma_wait3A_43 = arith.constant 0 : i32
    %dma_wait3A_44 = arith.constant 0 : i32
    %dma_wait3A_45 = arith.constant 0 : i32
    %dma_wait3A_46 = arith.constant 0 : i32
    %dma_wait3A_47 = tpu.memref_slice %arg5[%rem3A_42, %dma_wait3A_44, %dma_wait3A_45, %dma_wait3A_46] : memref<2x4x16x512xf32, #tpu.memory_space<vmem>> -> memref<1x4x16x512xf32, #tpu.memory_space<vmem>>
    %dma_wait3A_48 = tpu.memref_squeeze %dma_wait3A_47 : memref<1x4x16x512xf32, #tpu.memory_space<vmem>> -> memref<4x16x512xf32, #tpu.memory_space<vmem>>
    %dma_wait3A_49 = arith.constant 0 : i32
    %dma_wait3A_50 = arith.constant 480 : i32
    %dma_wait3A_51 = arith.constant 0 : i32
    %dma_wait3A_52 = tpu.memref_slice %arg3[%add3A, %dma_wait3A_43, %dma_wait3A_49, %dma_wait3A_50, %dma_wait3A_51] : memref<32x1x4x512x512xf32, #tpu.memory_space<hbm>> -> memref<1x1x4x16x512xf32, #tpu.memory_space<hbm>>
    %dma_wait3A_53 = tpu.memref_squeeze %dma_wait3A_52 : memref<1x1x4x16x512xf32, #tpu.memory_space<hbm>> -> memref<4x16x512xf32, #tpu.memory_space<hbm>>
    %dma_wait3A_54 = arith.constant 0 : i32
    %dma_wait3A_55 = arith.constant 480 : i32
    %dma_wait3A_56 = arith.constant 0 : i32
    %dma_wait3A_57 = tpu.memref_slice %arg3[%add3A, %dma_wait3A_43, %dma_wait3A_54, %dma_wait3A_55, %dma_wait3A_56] : memref<32x1x4x512x512xf32, #tpu.memory_space<hbm>> -> memref<1x1x4x16x512xf32, #tpu.memory_space<hbm>>
    %dma_wait3A_58 = tpu.memref_squeeze %dma_wait3A_57 : memref<1x1x4x16x512xf32, #tpu.memory_space<hbm>> -> memref<4x16x512xf32, #tpu.memory_space<hbm>>
    %dma_wait3A_59 = arith.constant 0 : i32
    %dma_wait3A_60 = arith.constant 0 : i32
    %dma_wait3A_61 = arith.constant 0 : i32
    %dma_wait3A_62 = tpu.memref_slice %arg5[%rem3A_42, %dma_wait3A_59, %dma_wait3A_60, %dma_wait3A_61] : memref<2x4x16x512xf32, #tpu.memory_space<vmem>> -> memref<1x4x16x512xf32, #tpu.memory_space<vmem>>
    %dma_wait3A_63 = tpu.memref_squeeze %dma_wait3A_62 : memref<1x4x16x512xf32, #tpu.memory_space<vmem>> -> memref<4x16x512xf32, #tpu.memory_space<vmem>>
    tpu.wait_dma2 semaphore(%arg7 : memref<!tpu.dma_semaphore, #tpu.memory_space<semaphore_mem>>) src(%dma_wait3A_63 : memref<4x16x512xf32, #tpu.memory_space<vmem>>) dst(%dma_wait3A_58 : memref<4x16x512xf32, #tpu.memory_space<hbm>>)
    %rem3A_64 = arith.constant 31 : i32
    %rem3A_65 = arith.constant 2 : i32
    %rem3A_66 = arith.remsi %rem3A_64, %rem3A_65 : i32
    %dma_wait3A_67 = arith.constant 0 : i32
    %dma_wait3A_68 = arith.constant 0 : i32
    %dma_wait3A_69 = arith.constant 0 : i32
    %dma_wait3A_70 = arith.constant 0 : i32
    %dma_wait3A_71 = tpu.memref_slice %arg5[%rem3A_66, %dma_wait3A_68, %dma_wait3A_69, %dma_wait3A_70] : memref<2x4x16x512xf32, #tpu.memory_space<vmem>> -> memref<1x4x16x512xf32, #tpu.memory_space<vmem>>
    %dma_wait3A_72 = tpu.memref_squeeze %dma_wait3A_71 : memref<1x4x16x512xf32, #tpu.memory_space<vmem>> -> memref<4x16x512xf32, #tpu.memory_space<vmem>>
    %dma_wait3A_73 = arith.constant 0 : i32
    %dma_wait3A_74 = arith.constant 496 : i32
    %dma_wait3A_75 = arith.constant 0 : i32
    %dma_wait3A_76 = tpu.memref_slice %arg3[%add3A, %dma_wait3A_67, %dma_wait3A_73, %dma_wait3A_74, %dma_wait3A_75] : memref<32x1x4x512x512xf32, #tpu.memory_space<hbm>> -> memref<1x1x4x16x512xf32, #tpu.memory_space<hbm>>
    %dma_wait3A_77 = tpu.memref_squeeze %dma_wait3A_76 : memref<1x1x4x16x512xf32, #tpu.memory_space<hbm>> -> memref<4x16x512xf32, #tpu.memory_space<hbm>>
    %dma_wait3A_78 = arith.constant 0 : i32
    %dma_wait3A_79 = arith.constant 496 : i32
    %dma_wait3A_80 = arith.constant 0 : i32
    %dma_wait3A_81 = tpu.memref_slice %arg3[%add3A, %dma_wait3A_67, %dma_wait3A_78, %dma_wait3A_79, %dma_wait3A_80] : memref<32x1x4x512x512xf32, #tpu.memory_space<hbm>> -> memref<1x1x4x16x512xf32, #tpu.memory_space<hbm>>
    %dma_wait3A_82 = tpu.memref_squeeze %dma_wait3A_81 : memref<1x1x4x16x512xf32, #tpu.memory_space<hbm>> -> memref<4x16x512xf32, #tpu.memory_space<hbm>>
    %dma_wait3A_83 = arith.constant 0 : i32
    %dma_wait3A_84 = arith.constant 0 : i32
    %dma_wait3A_85 = arith.constant 0 : i32
    %dma_wait3A_86 = tpu.memref_slice %arg5[%rem3A_66, %dma_wait3A_83, %dma_wait3A_84, %dma_wait3A_85] : memref<2x4x16x512xf32, #tpu.memory_space<vmem>> -> memref<1x4x16x512xf32, #tpu.memory_space<vmem>>
    %dma_wait3A_87 = tpu.memref_squeeze %dma_wait3A_86 : memref<1x4x16x512xf32, #tpu.memory_space<vmem>> -> memref<4x16x512xf32, #tpu.memory_space<vmem>>
    tpu.wait_dma2 semaphore(%arg7 : memref<!tpu.dma_semaphore, #tpu.memory_space<semaphore_mem>>) src(%dma_wait3A_87 : memref<4x16x512xf32, #tpu.memory_space<vmem>>) dst(%dma_wait3A_82 : memref<4x16x512xf32, #tpu.memory_space<hbm>>)
    return
  }
}

</mosaic_0001>

<sc_bundles>
// kernel: kernel.3.cloned.1.call-start
scs
__scs_entry_jumppad:
0x0: {  	(pc) =	sbr.rel $0x88, $3  }
0x1: {  	(tag) =	ssettag $0x0;
	lr =	simm.s32 $0x1  }
0x2: {  	[smem:$0x3FA0] =	sst lr;
	_ =	strace $0xD0000000  }
0x3: {  	_ = 	snop  }
0x4: {  	_ = 	snop  }
0x5: {  	_ = 	snop  }
0x6: {  	_ = 	snop  }
0x7: {  	_ = 	snop  }
__scs_overlays_trampoline_lowered:
0x8: {  	[smem:$0x3FAF] =	sst s0  }
0x9: {  	[smem:$0x3FB0] =	sst s1  }
0xa: {  	[smem:$0x3FB1] =	sst s2  }
0xb: {  	[smem:$0x3FB2] =	sst s3  }
0xc: {  	[smem:$0x3FB3] =	sst s4  }
0xd: {  	[smem:$0x3FB4] =	sst s5  }
0xe: {  	[smem:$0x3FB5] =	sst s6  }
0xf: {  	[smem:$0x3FB6] =	sst s7  }
0x10: {  	[smem:$0x3FB7] =	sst s8  }
0x11: {  	[smem:$0x3FB8] =	sst s9;
	s0 =	simm.s32 @!p0 $0x0  }
0x12: {  	s1 =	sld [smem:$0x3F9E];
	s0 =	simm.s32 @p0 $0x1  }
0x13: {  	[smem:$0x3FB9] =	sst s0;
	s0 =	simm.s32 @!p1 $0x0  }
0x14: {  	s2 =	sld [smem:$0x3F9D];
	s0 =	simm.s32 @p1 $0x1  }
0x15: {  	[smem:$0x3FBA] =	sst s0;
	s0 =	simm.s32 @!p2 $0x0  }
0x16: {  	s3 =	sld [smem:$0x3FDB];
	s0 =	simm.s32 @p2 $0x1  }
0x17: {  	s4 =	simm.s32 $0x1BF5;
	[smem:$0x3FBC] =	sst s0  }
0x18: {  	s0 =	sld [smem:$0x3F9F];
	_ =	swait.ge [sflag:s4], $0x0  }
0x19: {  	s7 =	sld [smem:$0x3FA0]  }
0x1a: {  	s8 =	sadd.s32 $0xFFFFE003, lr  }
0x1b: {  	s9 =	sadd.s32 $0xFFFFFEF7, lr;
	s5 =	simm.s32 $0xFFFFFFFF;
	p2 =	slt.u32 s8, $0xFFFFF086  }
0x1c: {  	p1 =	slt.u32 s9, $0xF7A;
	s5 =	simm.s32 @!p2 $0x0  }
0x1d: {  	s5 =	simm.s32 @p1 $0x1;
	p0 =	seq.s32 s7, s2  }
0x1e: {  	s7 =	smul.u32 @!p0 $0xF7A, s2;
	p2 =	seq.s32 @!p0 s5, $0x0  }
0x1f: {  	s9 =	smul.u32 $0xF7A, s1;
	s8 =	simm.s32 @!p0 $0x1BF5;
	p2 =	por !p2, p0  }
0x20: {  	[sflag:s8] =	ssyncset.s32 @!p0 $0xFFFFF086;
	s6 =	sadd.s32 @!p0 s3, s7;
	s7 =	simm.s32 @!p0 $0x108  }
0x21: {  	s3 =	sadd.s32 s3, s9;
	s6 =	sadd.s32 @!p0 $0x88, s6;
	s7 =	simm.s32 @p2 $0x1082  }
0x22: {  	[simem:s7], [sflag:s8] =	dma.local @!p0 [hbm:s6], $0xF7A  }
0x23: {  	s9 =	sor.u32 $0xD0000000, s2;
	s6 =	simm.s32 $0x108;
	_ =	swait.ge @!p0 [sflag:s8], $0x0  }
0x24: {  	s3 =	sadd.s32 $0x88, s3;
	s6 =	simm.s32 @!p1 $0x1082;
	[sflag:s4] =	ssyncset.s32 $0xFFFFF086  }
0x25: {  	[simem:s6], [sflag:s4] =	dma.local [hbm:s3], $0xF7A  }
0x26: {  	[smem:$0x3FA0] =	sst s1;
	(tag) =	ssettag s2;
	_ =	strace s9  }
0x27: {  	s1 =	sld [smem:$0x3FB0]  }
0x28: {  	s2 =	sld [smem:$0x3FB1]  }
0x29: {  	s4 =	sld [smem:$0x3FB3]  }
0x2a: {  	p0 =	seq.s32 s5, $0x0;
	s5 =	sld [smem:$0x3FB4]  }
0x2b: {  	s6 =	sld [smem:$0x3FB5]  }
0x2c: {  	s7 =	sld [smem:$0x3FB6]  }
0x2d: {  	s3 =	simm.s32 $0x108;
	s8 =	sld [smem:$0x3FB7]  }
0x2e: {  	s3 =	simm.s32 @!p0 $0x1082;
	s9 =	sld [smem:$0x3FB8]  }
0x2f: {  	lr =	sadd.s32 s0, s3;
	s0 =	sld [smem:$0x3FAF]  }
0x30: {  	s3 =	sld [smem:$0x3FB2]  }
0x31: {  	[smem:$0x3FBB] =	sst s10  }
0x32: {  	s10 =	sld [smem:$0x3FB9];
	_ =	sdelay $0x3  }
0x33: {  	p0 =	seq.s32 s10, $0x1;
	s10 =	sld [smem:$0x3FBB];
	_ =	sdelay $0x3  }
0x34: {  	[smem:$0x3FBB] =	sst s10  }
0x35: {  	s10 =	sld [smem:$0x3FBA];
	_ =	sdelay $0x3  }
0x36: {  	p1 =	seq.s32 s10, $0x1;
	s10 =	sld [smem:$0x3FBB];
	_ =	sdelay $0x3  }
0x37: {  	[smem:$0x3FBB] =	sst s10  }
0x38: {  	s10 =	sld [smem:$0x3FBC]  }
0x39: {  	_ = 	snop;
	(pc) =	sbr.ind lr, $3  }
0x3a: {  	_ = 	snop  }
0x3b: {  	_ = 	snop  }
0x3c: {  	p2 =	seq.s32 s10, $0x1;
	s10 =	sld [smem:$0x3FBB]  }
0x3d: {  	_ =	shalt  }
0x3e: {  	_ =	shalt  }
0x3f: {  	_ =	shalt  }
0x40: {  	_ =	shalt  }
0x41: {  	_ =	shalt  }
0x42: {  	_ =	shalt  }
0x43: {  	_ =	shalt  }
0x44: {  	_ =	shalt  }
0x45: {  	_ =	shalt  }
0x46: {  	_ =	shalt  }
0x47: {  	_ =	shalt  }
0x48: {  	_ =	shalt  }
0x49: {  	_ =	shalt  }
0x4a: {  	_ =	shalt  }
0x4b: {  	_ =	shalt  }
0x4c: {  	_ =	shalt  }
0x4d: {  	_ =	shalt  }
0x4e: {  	_ =	shalt  }
0x4f: {  	_ =	shalt  }
0x50: {  	_ =	shalt  }
0x51: {  	_ =	shalt  }
0x52: {  	_ =	shalt  }
0x53: {  	_ =	shalt  }
0x54: {  	_ =	shalt  }
0x55: {  	_ =	shalt  }
0x56: {  	_ =	shalt  }
0x57: {  	_ =	shalt  }
0x58: {  	_ =	shalt  }
0x59: {  	_ =	shalt  }
0x5a: {  	_ =	shalt  }
0x5b: {  	_ =	shalt  }
0x5c: {  	_ =	shalt  }
0x5d: {  	_ =	shalt  }
0x5e: {  	_ =	shalt  }
0x5f: {  	_ =	shalt  }
0x60: {  	_ =	shalt  }
0x61: {  	_ =	shalt  }
0x62: {  	_ =	shalt  }
0x63: {  	_ =	shalt  }
0x64: {  	_ =	shalt  }
0x65: {  	_ =	shalt  }
0x66: {  	_ =	shalt  }
0x67: {  	_ =	shalt  }
0x68: {  	_ =	shalt  }
0x69: {  	_ =	shalt  }
0x6a: {  	_ =	shalt  }
0x6b: {  	_ =	shalt  }
0x6c: {  	_ =	shalt  }
0x6d: {  	_ =	shalt  }
0x6e: {  	_ =	shalt  }
0x6f: {  	_ =	shalt  }
0x70: {  	_ =	shalt  }
0x71: {  	_ =	shalt  }
0x72: {  	_ =	shalt  }
0x73: {  	_ =	shalt  }
0x74: {  	_ =	shalt  }
0x75: {  	_ =	shalt  }
0x76: {  	_ =	shalt  }
0x77: {  	_ =	shalt  }
0x78: {  	_ =	shalt  }
0x79: {  	_ =	shalt  }
0x7a: {  	_ =	shalt  }
0x7b: {  	_ =	shalt  }
0x7c: {  	_ =	shalt  }
0x7d: {  	_ =	shalt  }
0x7e: {  	_ =	shalt  }
0x7f: {  	_ =	shalt  }
0x80: {  	_ =	shalt  }
0x81: {  	_ =	shalt  }
0x82: {  	_ =	shalt  }
0x83: {  	_ =	shalt  }
0x84: {  	_ =	shalt  }
0x85: {  	_ =	shalt  }
0x86: {  	_ =	shalt  }
0x87: {  	_ =	shalt  }
.Lfunc_end0:
.L_simem_size_0:
called_computation_lowered:
.L_overlay_start_0:
0x88: {  	s2 =	sld [smem:$0x3FD9]  }
0x89: {  	s3 =	sld [smem:$0x3FFE];
	_ =	sdelay $0x1  }
0x8a: {  	s1 =	srdreg.scid  }
0x8b: {  	s0 =	sand.u32 $0x1, s1  }
0x8c: {  	s18 =	sshll.u32 s0, $0xA;
	s2 =	sadd.s32 s3, s2  }
0x8d: {  	s2 =	sadd.s32 s2, s18  }
0x8e: {  	[smem:$0x3FC7] =	sst s2  }
0x8f: {  	_ = 	snop  }
0x90: {  	s2 =	sld [smem:$0x3FC9]  }
0x91: {  	s19 =	sld [smem:$0x3FD0];
	(tm) =	ssettm $0x1  }
0x92: {  	s4 =	sld [smem:$0x3FFB];
	_ =	sdelay $0x3  }
0x93: {  	_ =	strace s4  }
0x94: {  	s4 =	sld [smem:$0x3FFC];
	_ =	sdelay $0x3  }
0x95: {  	_ =	strace s4  }
0x96: {  	s4 =	sld [smem:$0x3FFD];
	_ =	sdelay $0x3  }
0x97: {  	_ =	strace s4  }
0x98: {  	_ =	strace $0x8FFFFFFF  }
0x99: {  	s20 =	sld [smem:$0x3FDB];
	_ =	sdelay $0x1  }
0x9a: {  	s5 =	simm.s32 $_scs_section_size  }
0x9b: {  	s6 =	simm.s32 $_size__tile_overlayer_lowered;
	s7 =	simm.s32 $_tile_overlayer_lowered  }
0x9c: {  	s23 =	simm.s32 $0x1BFF;
	s22 =	sshll.u32 s7, $0x1;
	s4 =	sadd.s32 s5, s20  }
0x9d: {  	s8 =	simm.s32 $0x0;
	s21 =	sshll.u32 s6, $0x1;
	s6 =	sadd.s32 s22, s4  }
0x9e: {  	[timem:s8], [sflag:s23] =	dma.local [hbm:s6], s21  }
0x9f: {  	_ =	swait.ge [sflag:s23], s21  }
0xa0: {  	s5 =	ssub.s32 $0x0, s21;
	[sflag:s23] =	ssyncset.done $0x0  }
0xa1: {  	[sflag:s23] =	ssyncadd.s32 s5;
	_ =	sdelay $0x1  }
0xa2: {  	s24 =	simm.s32 $0x1B8B  }
0xa3: {  	_ =	swait.ge [sflag:s24], $0x1  }
0xa4: {  	[sflag:s24] =	ssyncset.done $0x0  }
0xa5: {  	s25 =	simm.s32 $0x1B8E;
	[sflag:s24] =	ssyncadd.s32 $0xFFFFFFFF  }
0xa6: {  	s26 =	simm.s32 $execute0_lowered;
	[smem:$0x3FD2] =	sst s25  }
0xa7: {  	s5 =	sshll.u32 s26, $0x1;
	_ =	strace $0x80000046;
	[dreg:$0x1] =	wrdreg $0xFFFFFFFF  }
0xa8: {  	s28 =	simm.s32 $_size_execute0_lowered;
	s4 =	sadd.s32 s4, s5;
	[dreg:$0x0] =	wrdreg $0x0  }
0xa9: {  	s5 =	sshll.u32 s28, $0x1;
	[dreg:$0x2] =	wrdreg s4  }
0xaa: {  	[dreg:$0x3] =	wrdreg s5  }
0xab: {  	[dreg:$0x4] =	wrdreg $0xC0  }
0xac: {  	_ =	task [dreg:s8], $0x5FFFF  }
0xad: {  	[dreg:$0x1] =	wrdreg $0xFFFFFFFF  }
0xae: {  	[dreg:$0x0] =	wrdreg $0x60  }
0xaf: {  	[dreg:$0x2] =	wrdreg s2  }
0xb0: {  	[dreg:$0x3] =	wrdreg s19  }
0xb1: {  	[dreg:$0x4] =	wrdreg $0x9  }
0xb2: {  	_ =	task.clear_ibuf [dreg:s8], $0x5FFFF;
	_ =	strace $0x90000046  }
0xb3: {  	s29 =	simm.s32 $0x9;
	_ =	strace $0x80000048  }
0xb4: {  	_ =	swait.ge [sflag:s29], $0x1  }
0xb5: {  	[sflag:s29] =	ssyncadd.s32 $0xFFFFFFFF  }
0xb6: {  	_ =	strace $0x90000048  }
0xb7: {  	_ =	sfence  }
0xb8: {  	s30 =	sld [smem:$0x0];
	_ =	sdelay $0x2  }
0xb9: {  	s31 =	sshll.u32 s1, $0xD;
	s1 =	sshrl.u32 s1, $0x2  }
0xba: {  	s3 =	sand.u32 $0x4000, s31;
	s1 =	sadd.s32 s1, s30  }
0xbb: {  	s0 =	sor.u32 s3, s0;
	s1 =	sshll.u32 s1, $0x11  }
0xbc: {  	s0 =	sor.u32 s1, s0  }
0xbd: {  	s0 =	sadd.s32 $0x8F2B, s0  }
0xbe: {  	[sflag:s0] =	ssyncadd.remote.s32 $0x1  }
0xbf: {  	_ =	sfence.sel $0xFFFF  }
0xc0: {  	[dreg:$0x0] =	wrdreg $0xFFFFFFFF;
	(pc) =	sbr.abs _section_cstart, $3  }
0xc1: {  	[dreg:$0x1] =	wrdreg $0xFFFFFFFF  }
0xc2: {  	_ =	task.clear_ibuf [dreg:s8], $0x2FFFF;
	_ =	strace $0x9FFFFFFF  }
0xc3: {  	(tm) =	ssettm $0x7FFFFFFF  }
tec
execute0_lowered:
.L_overlay_start_1:
0x0: {  	(tag) =	ssettag $0x1  }
0x1: {  	s3 =	rddreg [dreg:$0x0]  }
0x2: {  	s4 =	rddreg [dreg:$0x1]  }
0x3: {  	s0 =	rddreg [dreg:$0x2]  }
0x4: {  	s2 =	simm.s32 $0x0;
	s5 =	srdreg.scid;
	s1 =	stileid.u32  }
0x5: {  	s9 =	simm.s32 $0x40000;
	s10 =	simm.s32 $0x0;
	s5 =	sand.u32 $0x1, s5  }
0x6: {  	[smem:$0x7FF] =	sst s2;
	s6 =	sshll.u32 s1, $0x1;
	s7 =	ssub.s32 $0x2, s5  }
0x7: {  	_ =	strace $0x80000047;
	s5 =	sor.u32 s5, s6;
	s31 =	sshrl.u32 s7, $0x1  }
0x8: {  	s8 =	sshll.u32 s5, $0xF;
	s5 =	sshll.u32 s5, $0x11;
	s6 =	ssub.s32 s7, s31  }
0x9: {  	s3 =	sadd.s32 s3, s8;
	s4 =	sadd.s32 s4, s5;
	s7 =	simm.s32 $0x2  }
0xa: {  	s8 =	simm.s32 $0x2000;
	s5 =	smax.u32 s6, $0x1;
	s6 =	simm.s32 $0x1  }
.LBB2_1:
0xb: {  	[tilespmem:s2], [sflag:$0x1] =	stream.linear.gather [hbm4b:s3+s2], $0x2000, $0x38;
	[tilespmem:$0x14000] =	vst v63  }
0xc: {  	_ =	swait.ge [sflag:s6], $0x2000  }
0xd: {  	[sflag:s6] =	ssyncset.done $0x0  }
0xe: {  	s12 =	simm.s32 $0x0;
	[sflag:s6] =	ssyncadd.s32 $0xFFFFE000  }
.LBB2_2:
0xf: {  	s13 =	sand.u32 $0x1, s12;
	s11 =	sadd.s32 $0x1, s12;
	p0 =	seq.s32 s12, $0x1F  }
0x10: {  	s14 =	sshll.u32 @!p0 s11, $0xA;
	s15 =	sshll.u32 @!p0 s13, $0xD;
	s16 =	simm.s32 @!p0 $0x0  }
0x11: {  	p1 =	slt.u32 @!p0 s12, $0x2;
	s15 =	sxor.u32 @!p0 $0x2000, s15;
	s14 =	sadd.s32 @!p0 s14, s3  }
0x12: {  	[tilespmem:s15], [sflag:$0x1] =	stream.linear.gather @!p0 [hbm4b:s14+s16], $0x2000, $0x38;
	[tilespmem:$0x14000] =	vst v63  }
0x13: {  	s13 =	sshll.u32 s13, $0xF;
	p1 =	por p0, !p1;
	s16 =	simm.s32 $0x0  }
0x14: {  	s17 =	sshrl.u32 s13, $0x2;
	_ =	swait.ge @p1 [sflag:s7], $0x8000;
	s30 =	sand.u32 $0x1000, s16  }
0x15: {  	s18 =	sand.u32 $0x380, s16;
	[sflag:s7] =	ssyncset.done @p1 $0x0;
	s31 =	sadd.s32 s30, s17  }
0x16: {  	[sflag:s7] =	ssyncadd.s32 @p1 $0xFFFF8000;
	s15 =	sadd.s32 s18, s31  }
0x17: {  	v0 =	vld [tilespmem:s15+$0x0];
	_ =	sdelay $0x1  }
0x18: {  	s13 =	sor.u32 $0x4000, s13  }
0x19: {  	s14 =	sadd.s32 s30, s13  }
0x1a: {  	s14 =	sadd.s32 s18, s14  }
0x1b: {  	[tilespmem:s14+$0x6000] =	vst v0  }
0x1c: {  	[tilespmem:s14+$0x4000] =	vst v0  }
0x1d: {  	[tilespmem:s14+$0x0] =	vst v0  }
0x1e: {  	[tilespmem:s14+$0x2000] =	vst v0  }
0x1f: {  	v0 =	vld [tilespmem:s15+$0x10];
	_ =	sdelay $0x4  }
0x20: {  	[tilespmem:s14+$0x10] =	vst v0  }
0x21: {  	[tilespmem:s14+$0x2010] =	vst v0  }
0x22: {  	[tilespmem:s14+$0x4010] =	vst v0  }
0x23: {  	[tilespmem:s14+$0x6010] =	vst v0  }
0x24: {  	v0 =	vld [tilespmem:s15+$0x20];
	_ =	sdelay $0x4  }
0x25: {  	[tilespmem:s14+$0x4020] =	vst v0  }
0x26: {  	[tilespmem:s14+$0x2020] =	vst v0  }
0x27: {  	[tilespmem:s14+$0x20] =	vst v0  }
0x28: {  	[tilespmem:s14+$0x6020] =	vst v0  }
0x29: {  	v0 =	vld [tilespmem:s15+$0x30];
	_ =	sdelay $0x4  }
0x2a: {  	[tilespmem:s14+$0x4030] =	vst v0  }
0x2b: {  	[tilespmem:s14+$0x2030] =	vst v0  }
0x2c: {  	[tilespmem:s14+$0x30] =	vst v0  }
0x2d: {  	[tilespmem:s14+$0x6030] =	vst v0  }
0x2e: {  	v0 =	vld [tilespmem:s15+$0x40];
	_ =	sdelay $0x4  }
0x2f: {  	[tilespmem:s14+$0x4040] =	vst v0  }
0x30: {  	[tilespmem:s14+$0x2040] =	vst v0  }
0x31: {  	[tilespmem:s14+$0x40] =	vst v0  }
0x32: {  	[tilespmem:s14+$0x6040] =	vst v0  }
0x33: {  	v0 =	vld [tilespmem:s15+$0x50];
	_ =	sdelay $0x4  }
0x34: {  	[tilespmem:s14+$0x4050] =	vst v0  }
0x35: {  	[tilespmem:s14+$0x2050] =	vst v0  }
0x36: {  	[tilespmem:s14+$0x50] =	vst v0  }
0x37: {  	[tilespmem:s14+$0x6050] =	vst v0  }
0x38: {  	v0 =	vld [tilespmem:s15+$0x60];
	_ =	sdelay $0x4  }
0x39: {  	[tilespmem:s14+$0x4060] =	vst v0  }
0x3a: {  	[tilespmem:s14+$0x2060] =	vst v0  }
0x3b: {  	[tilespmem:s14+$0x60] =	vst v0  }
0x3c: {  	[tilespmem:s14+$0x6060] =	vst v0  }
0x3d: {  	v0 =	vld [tilespmem:s15+$0x70];
	_ =	sdelay $0x4  }
0x3e: {  	[tilespmem:s14+$0x4070] =	vst v0  }
0x3f: {  	[tilespmem:s14+$0x2070] =	vst v0  }
0x40: {  	[tilespmem:s14+$0x70] =	vst v0  }
0x41: {  	[tilespmem:s14+$0x6070] =	vst v0  }
0x42: {  	v0 =	vld [tilespmem:s15+$0x400];
	_ =	sdelay $0x4  }
0x43: {  	[tilespmem:s14+$0x4400] =	vst v0  }
0x44: {  	[tilespmem:s14+$0x2400] =	vst v0  }
0x45: {  	[tilespmem:s14+$0x400] =	vst v0  }
0x46: {  	[tilespmem:s14+$0x6400] =	vst v0  }
0x47: {  	v0 =	vld [tilespmem:s15+$0x410];
	_ =	sdelay $0x4  }
0x48: {  	[tilespmem:s14+$0x4410] =	vst v0  }
0x49: {  	[tilespmem:s14+$0x2410] =	vst v0  }
0x4a: {  	[tilespmem:s14+$0x410] =	vst v0  }
0x4b: {  	[tilespmem:s14+$0x6410] =	vst v0  }
0x4c: {  	v0 =	vld [tilespmem:s15+$0x420];
	_ =	sdelay $0x4  }
0x4d: {  	[tilespmem:s14+$0x4420] =	vst v0  }
0x4e: {  	[tilespmem:s14+$0x2420] =	vst v0  }
0x4f: {  	[tilespmem:s14+$0x420] =	vst v0  }
0x50: {  	[tilespmem:s14+$0x6420] =	vst v0  }
0x51: {  	v0 =	vld [tilespmem:s15+$0x430];
	_ =	sdelay $0x4  }
0x52: {  	[tilespmem:s14+$0x4430] =	vst v0  }
0x53: {  	[tilespmem:s14+$0x6430] =	vst v0  }
0x54: {  	[tilespmem:s14+$0x430] =	vst v0  }
0x55: {  	[tilespmem:s14+$0x2430] =	vst v0  }
0x56: {  	v0 =	vld [tilespmem:s15+$0x440];
	_ =	sdelay $0x4  }
0x57: {  	[tilespmem:s14+$0x4440] =	vst v0  }
0x58: {  	[tilespmem:s14+$0x2440] =	vst v0  }
0x59: {  	[tilespmem:s14+$0x440] =	vst v0  }
0x5a: {  	[tilespmem:s14+$0x6440] =	vst v0  }
0x5b: {  	v0 =	vld [tilespmem:s15+$0x450];
	_ =	sdelay $0x4  }
0x5c: {  	[tilespmem:s14+$0x4450] =	vst v0  }
0x5d: {  	[tilespmem:s14+$0x2450] =	vst v0  }
0x5e: {  	[tilespmem:s14+$0x450] =	vst v0  }
0x5f: {  	[tilespmem:s14+$0x6450] =	vst v0  }
0x60: {  	v0 =	vld [tilespmem:s15+$0x460];
	_ =	sdelay $0x4  }
0x61: {  	[tilespmem:s14+$0x4460] =	vst v0  }
0x62: {  	[tilespmem:s14+$0x2460] =	vst v0  }
0x63: {  	[tilespmem:s14+$0x460] =	vst v0  }
0x64: {  	[tilespmem:s14+$0x6460] =	vst v0  }
0x65: {  	v0 =	vld [tilespmem:s15+$0x470];
	_ =	sdelay $0x4  }
0x66: {  	[tilespmem:s14+$0x4470] =	vst v0  }
0x67: {  	[tilespmem:s14+$0x2470] =	vst v0  }
0x68: {  	[tilespmem:s14+$0x470] =	vst v0  }
0x69: {  	[tilespmem:s14+$0x6470] =	vst v0  }
0x6a: {  	v0 =	vld [tilespmem:s15+$0x800];
	_ =	sdelay $0x4  }
0x6b: {  	[tilespmem:s14+$0x4800] =	vst v0  }
0x6c: {  	[tilespmem:s14+$0x2800] =	vst v0  }
0x6d: {  	[tilespmem:s14+$0x800] =	vst v0  }
0x6e: {  	[tilespmem:s14+$0x6800] =	vst v0  }
0x6f: {  	v0 =	vld [tilespmem:s15+$0x810];
	_ =	sdelay $0x4  }
0x70: {  	[tilespmem:s14+$0x4810] =	vst v0  }
0x71: {  	[tilespmem:s14+$0x2810] =	vst v0  }
0x72: {  	[tilespmem:s14+$0x810] =	vst v0  }
0x73: {  	[tilespmem:s14+$0x6810] =	vst v0  }
0x74: {  	v0 =	vld [tilespmem:s15+$0x820];
	_ =	sdelay $0x4  }
0x75: {  	[tilespmem:s14+$0x4820] =	vst v0  }
0x76: {  	[tilespmem:s14+$0x6820] =	vst v0  }
0x77: {  	[tilespmem:s14+$0x820] =	vst v0  }
0x78: {  	[tilespmem:s14+$0x2820] =	vst v0  }
0x79: {  	v0 =	vld [tilespmem:s15+$0x830];
	_ =	sdelay $0x4  }
0x7a: {  	[tilespmem:s14+$0x4830] =	vst v0  }
0x7b: {  	[tilespmem:s14+$0x2830] =	vst v0  }
0x7c: {  	[tilespmem:s14+$0x830] =	vst v0  }
0x7d: {  	[tilespmem:s14+$0x6830] =	vst v0  }
0x7e: {  	v0 =	vld [tilespmem:s15+$0x840];
	_ =	sdelay $0x4  }
0x7f: {  	[tilespmem:s14+$0x4840] =	vst v0  }
0x80: {  	[tilespmem:s14+$0x2840] =	vst v0  }
0x81: {  	[tilespmem:s14+$0x840] =	vst v0  }
0x82: {  	[tilespmem:s14+$0x6840] =	vst v0  }
0x83: {  	s18 =	simm.s32 $0x200;
	v0 =	vld [tilespmem:s15+$0x850]  }
.LBB2_3:
0x84: {  	p1 =	sne.s32 s18, $0x1E00  }
0x85: {  	s16 =	sadd.s32 $0x80, s16;
	s19 =	smov.u32 s18;
	s18 =	sadd.s32 $0x200, s18  }
0x86: {  	_ =	sdelay $0x1  }
0x87: {  	[tilespmem:s14+$0x4850] =	vst v0  }
0x88: {  	[tilespmem:s14+$0x2850] =	vst v0  }
0x89: {  	[tilespmem:s14+$0x850] =	vst v0  }
0x8a: {  	[tilespmem:s14+$0x6850] =	vst v0  }
0x8b: {  	v0 =	vld [tilespmem:s15+$0x860];
	_ =	sdelay $0x4  }
0x8c: {  	[tilespmem:s14+$0x6860] =	vst v0  }
0x8d: {  	[tilespmem:s14+$0x2860] =	vst v0  }
0x8e: {  	[tilespmem:s14+$0x860] =	vst v0  }
0x8f: {  	[tilespmem:s14+$0x4860] =	vst v0  }
0x90: {  	v0 =	vld [tilespmem:s15+$0x870];
	_ =	sdelay $0x4  }
0x91: {  	[tilespmem:s14+$0x870] =	vst v0  }
0x92: {  	[tilespmem:s14+$0x2870] =	vst v0  }
0x93: {  	[tilespmem:s14+$0x4870] =	vst v0  }
0x94: {  	[tilespmem:s14+$0x6870] =	vst v0  }
0x95: {  	v0 =	vld [tilespmem:s15+$0xC00];
	_ =	sdelay $0x4  }
0x96: {  	[tilespmem:s14+$0x4C00] =	vst v0  }
0x97: {  	[tilespmem:s14+$0x2C00] =	vst v0  }
0x98: {  	[tilespmem:s14+$0xC00] =	vst v0  }
0x99: {  	[tilespmem:s14+$0x6C00] =	vst v0  }
0x9a: {  	v0 =	vld [tilespmem:s15+$0xC10];
	_ =	sdelay $0x4  }
0x9b: {  	[tilespmem:s14+$0x6C10] =	vst v0  }
0x9c: {  	[tilespmem:s14+$0x2C10] =	vst v0  }
0x9d: {  	[tilespmem:s14+$0xC10] =	vst v0  }
0x9e: {  	[tilespmem:s14+$0x4C10] =	vst v0  }
0x9f: {  	v0 =	vld [tilespmem:s15+$0xC20];
	_ =	sdelay $0x4  }
0xa0: {  	[tilespmem:s14+$0xC20] =	vst v0  }
0xa1: {  	[tilespmem:s14+$0x2C20] =	vst v0  }
0xa2: {  	[tilespmem:s14+$0x4C20] =	vst v0  }
0xa3: {  	[tilespmem:s14+$0x6C20] =	vst v0  }
0xa4: {  	v0 =	vld [tilespmem:s15+$0xC30];
	_ =	sdelay $0x4  }
0xa5: {  	[tilespmem:s14+$0x6C30] =	vst v0  }
0xa6: {  	[tilespmem:s14+$0x2C30] =	vst v0  }
0xa7: {  	[tilespmem:s14+$0xC30] =	vst v0  }
0xa8: {  	[tilespmem:s14+$0x4C30] =	vst v0  }
0xa9: {  	v0 =	vld [tilespmem:s15+$0xC40];
	_ =	sdelay $0x4  }
0xaa: {  	[tilespmem:s14+$0xC40] =	vst v0  }
0xab: {  	[tilespmem:s14+$0x2C40] =	vst v0  }
0xac: {  	[tilespmem:s14+$0x4C40] =	vst v0  }
0xad: {  	[tilespmem:s14+$0x6C40] =	vst v0  }
0xae: {  	v0 =	vld [tilespmem:s15+$0xC50];
	_ =	sdelay $0x4  }
0xaf: {  	[tilespmem:s14+$0x2C50] =	vst v0  }
0xb0: {  	[tilespmem:s14+$0x4C50] =	vst v0  }
0xb1: {  	[tilespmem:s14+$0xC50] =	vst v0  }
0xb2: {  	[tilespmem:s14+$0x6C50] =	vst v0  }
0xb3: {  	v0 =	vld [tilespmem:s15+$0xC60];
	_ =	sdelay $0x4  }
0xb4: {  	[tilespmem:s14+$0x6C60] =	vst v0  }
0xb5: {  	[tilespmem:s14+$0x2C60] =	vst v0  }
0xb6: {  	[tilespmem:s14+$0xC60] =	vst v0  }
0xb7: {  	[tilespmem:s14+$0x4C60] =	vst v0  }
0xb8: {  	v0 =	vld [tilespmem:s15+$0xC70];
	_ =	sdelay $0x4  }
0xb9: {  	[tilespmem:s14+$0xC70] =	vst v0  }
0xba: {  	s15 =	sand.u32 $0x1000, s19;
	[tilespmem:s14+$0x6C70] =	vst v0  }
0xbb: {  	s19 =	sand.u32 $0x380, s16;
	s20 =	sadd.s32 s15, s17;
	s21 =	sadd.s32 s15, s13;
	[tilespmem:s14+$0x4C70] =	vst v0  }
0xbc: {  	s15 =	sadd.s32 s19, s20;
	[tilespmem:s14+$0x2C70] =	vst v0  }
0xbd: {  	v0 =	vld [tilespmem:s15+$0x0];
	_ =	sdelay $0x3  }
0xbe: {  	s14 =	sadd.s32 s19, s21  }
0xbf: {  	[tilespmem:s14+$0x6000] =	vst v0  }
0xc0: {  	[tilespmem:s14+$0x4000] =	vst v0  }
0xc1: {  	[tilespmem:s14+$0x0] =	vst v0  }
0xc2: {  	[tilespmem:s14+$0x2000] =	vst v0  }
0xc3: {  	v0 =	vld [tilespmem:s15+$0x10];
	_ =	sdelay $0x4  }
0xc4: {  	[tilespmem:s14+$0x10] =	vst v0  }
0xc5: {  	[tilespmem:s14+$0x2010] =	vst v0  }
0xc6: {  	[tilespmem:s14+$0x4010] =	vst v0  }
0xc7: {  	[tilespmem:s14+$0x6010] =	vst v0  }
0xc8: {  	v0 =	vld [tilespmem:s15+$0x20];
	_ =	sdelay $0x4  }
0xc9: {  	[tilespmem:s14+$0x4020] =	vst v0  }
0xca: {  	[tilespmem:s14+$0x2020] =	vst v0  }
0xcb: {  	[tilespmem:s14+$0x20] =	vst v0  }
0xcc: {  	[tilespmem:s14+$0x6020] =	vst v0  }
0xcd: {  	v0 =	vld [tilespmem:s15+$0x30];
	_ =	sdelay $0x4  }
0xce: {  	[tilespmem:s14+$0x4030] =	vst v0  }
0xcf: {  	[tilespmem:s14+$0x2030] =	vst v0  }
0xd0: {  	[tilespmem:s14+$0x30] =	vst v0  }
0xd1: {  	[tilespmem:s14+$0x6030] =	vst v0  }
0xd2: {  	v0 =	vld [tilespmem:s15+$0x40];
	_ =	sdelay $0x4  }
0xd3: {  	[tilespmem:s14+$0x4040] =	vst v0  }
0xd4: {  	[tilespmem:s14+$0x2040] =	vst v0  }
0xd5: {  	[tilespmem:s14+$0x40] =	vst v0  }
0xd6: {  	[tilespmem:s14+$0x6040] =	vst v0  }
0xd7: {  	v0 =	vld [tilespmem:s15+$0x50];
	_ =	sdelay $0x4  }
0xd8: {  	[tilespmem:s14+$0x4050] =	vst v0  }
0xd9: {  	[tilespmem:s14+$0x2050] =	vst v0  }
0xda: {  	[tilespmem:s14+$0x50] =	vst v0  }
0xdb: {  	[tilespmem:s14+$0x6050] =	vst v0  }
0xdc: {  	v0 =	vld [tilespmem:s15+$0x60];
	_ =	sdelay $0x4  }
0xdd: {  	[tilespmem:s14+$0x4060] =	vst v0  }
0xde: {  	[tilespmem:s14+$0x2060] =	vst v0  }
0xdf: {  	[tilespmem:s14+$0x60] =	vst v0  }
0xe0: {  	[tilespmem:s14+$0x6060] =	vst v0  }
0xe1: {  	v0 =	vld [tilespmem:s15+$0x70];
	_ =	sdelay $0x4  }
0xe2: {  	[tilespmem:s14+$0x4070] =	vst v0  }
0xe3: {  	[tilespmem:s14+$0x2070] =	vst v0  }
0xe4: {  	[tilespmem:s14+$0x70] =	vst v0  }
0xe5: {  	[tilespmem:s14+$0x6070] =	vst v0  }
0xe6: {  	v0 =	vld [tilespmem:s15+$0x400];
	_ =	sdelay $0x4  }
0xe7: {  	[tilespmem:s14+$0x4400] =	vst v0  }
0xe8: {  	[tilespmem:s14+$0x2400] =	vst v0  }
0xe9: {  	[tilespmem:s14+$0x400] =	vst v0  }
0xea: {  	[tilespmem:s14+$0x6400] =	vst v0  }
0xeb: {  	v0 =	vld [tilespmem:s15+$0x410];
	_ =	sdelay $0x4  }
0xec: {  	[tilespmem:s14+$0x4410] =	vst v0  }
0xed: {  	[tilespmem:s14+$0x2410] =	vst v0  }
0xee: {  	[tilespmem:s14+$0x410] =	vst v0  }
0xef: {  	[tilespmem:s14+$0x6410] =	vst v0  }
0xf0: {  	v0 =	vld [tilespmem:s15+$0x420];
	_ =	sdelay $0x4  }
0xf1: {  	[tilespmem:s14+$0x4420] =	vst v0  }
0xf2: {  	[tilespmem:s14+$0x2420] =	vst v0  }
0xf3: {  	[tilespmem:s14+$0x420] =	vst v0  }
0xf4: {  	[tilespmem:s14+$0x6420] =	vst v0  }
0xf5: {  	v0 =	vld [tilespmem:s15+$0x430];
	_ =	sdelay $0x4  }
0xf6: {  	[tilespmem:s14+$0x4430] =	vst v0  }
0xf7: {  	[tilespmem:s14+$0x6430] =	vst v0  }
0xf8: {  	[tilespmem:s14+$0x430] =	vst v0  }
0xf9: {  	[tilespmem:s14+$0x2430] =	vst v0  }
0xfa: {  	v0 =	vld [tilespmem:s15+$0x440];
	_ =	sdelay $0x4  }
0xfb: {  	[tilespmem:s14+$0x4440] =	vst v0  }
0xfc: {  	[tilespmem:s14+$0x2440] =	vst v0  }
0xfd: {  	[tilespmem:s14+$0x440] =	vst v0  }
0xfe: {  	[tilespmem:s14+$0x6440] =	vst v0  }
0xff: {  	v0 =	vld [tilespmem:s15+$0x450];
	_ =	sdelay $0x4  }
0x100: {  	[tilespmem:s14+$0x4450] =	vst v0  }
0x101: {  	[tilespmem:s14+$0x2450] =	vst v0  }
0x102: {  	[tilespmem:s14+$0x450] =	vst v0  }
0x103: {  	[tilespmem:s14+$0x6450] =	vst v0  }
0x104: {  	v0 =	vld [tilespmem:s15+$0x460];
	_ =	sdelay $0x4  }
0x105: {  	[tilespmem:s14+$0x4460] =	vst v0  }
0x106: {  	[tilespmem:s14+$0x2460] =	vst v0  }
0x107: {  	[tilespmem:s14+$0x460] =	vst v0  }
0x108: {  	[tilespmem:s14+$0x6460] =	vst v0  }
0x109: {  	v0 =	vld [tilespmem:s15+$0x470];
	_ =	sdelay $0x4  }
0x10a: {  	[tilespmem:s14+$0x4470] =	vst v0  }
0x10b: {  	[tilespmem:s14+$0x2470] =	vst v0  }
0x10c: {  	[tilespmem:s14+$0x470] =	vst v0  }
0x10d: {  	[tilespmem:s14+$0x6470] =	vst v0  }
0x10e: {  	v0 =	vld [tilespmem:s15+$0x800];
	_ =	sdelay $0x4  }
0x10f: {  	[tilespmem:s14+$0x4800] =	vst v0  }
0x110: {  	[tilespmem:s14+$0x2800] =	vst v0  }
0x111: {  	[tilespmem:s14+$0x800] =	vst v0  }
0x112: {  	[tilespmem:s14+$0x6800] =	vst v0  }
0x113: {  	v0 =	vld [tilespmem:s15+$0x810];
	_ =	sdelay $0x4  }
0x114: {  	[tilespmem:s14+$0x4810] =	vst v0  }
0x115: {  	[tilespmem:s14+$0x2810] =	vst v0  }
0x116: {  	[tilespmem:s14+$0x810] =	vst v0  }
0x117: {  	[tilespmem:s14+$0x6810] =	vst v0  }
0x118: {  	v0 =	vld [tilespmem:s15+$0x820];
	_ =	sdelay $0x4  }
0x119: {  	[tilespmem:s14+$0x4820] =	vst v0  }
0x11a: {  	[tilespmem:s14+$0x6820] =	vst v0  }
0x11b: {  	[tilespmem:s14+$0x820] =	vst v0  }
0x11c: {  	[tilespmem:s14+$0x2820] =	vst v0  }
0x11d: {  	v0 =	vld [tilespmem:s15+$0x830];
	_ =	sdelay $0x4  }
0x11e: {  	[tilespmem:s14+$0x4830] =	vst v0  }
0x11f: {  	[tilespmem:s14+$0x2830] =	vst v0  }
0x120: {  	[tilespmem:s14+$0x830] =	vst v0  }
0x121: {  	[tilespmem:s14+$0x6830] =	vst v0  }
0x122: {  	v0 =	vld [tilespmem:s15+$0x840];
	_ =	sdelay $0x4  }
.Ltmp0:
0x123: {  	[tilespmem:s14+$0x4840] =	vst v0;
	(pc) =	sbr.rel @p1 .LBB2_3-.Ltmp0, $4  }
0x124: {  	[tilespmem:s14+$0x2840] =	vst v0  }
0x125: {  	[tilespmem:s14+$0x840] =	vst v0  }
0x126: {  	[tilespmem:s14+$0x6840] =	vst v0  }
0x127: {  	v0 =	vld [tilespmem:s15+$0x850]  }
0x128: {  	_ =	sdelay $0x3  }
0x129: {  	[tilespmem:s14+$0x4850] =	vst v0  }
0x12a: {  	[tilespmem:s14+$0x2850] =	vst v0  }
0x12b: {  	[tilespmem:s14+$0x850] =	vst v0  }
0x12c: {  	[tilespmem:s14+$0x6850] =	vst v0  }
0x12d: {  	v0 =	vld [tilespmem:s15+$0x860];
	_ =	sdelay $0x4  }
0x12e: {  	[tilespmem:s14+$0x6860] =	vst v0  }
0x12f: {  	[tilespmem:s14+$0x2860] =	vst v0  }
0x130: {  	[tilespmem:s14+$0x860] =	vst v0  }
0x131: {  	[tilespmem:s14+$0x4860] =	vst v0  }
0x132: {  	v0 =	vld [tilespmem:s15+$0x870];
	_ =	sdelay $0x4  }
0x133: {  	[tilespmem:s14+$0x870] =	vst v0  }
0x134: {  	[tilespmem:s14+$0x2870] =	vst v0  }
0x135: {  	[tilespmem:s14+$0x4870] =	vst v0  }
0x136: {  	[tilespmem:s14+$0x6870] =	vst v0  }
0x137: {  	v0 =	vld [tilespmem:s15+$0xC00];
	_ =	sdelay $0x4  }
0x138: {  	[tilespmem:s14+$0x4C00] =	vst v0  }
0x139: {  	[tilespmem:s14+$0x2C00] =	vst v0  }
0x13a: {  	[tilespmem:s14+$0xC00] =	vst v0  }
0x13b: {  	[tilespmem:s14+$0x6C00] =	vst v0  }
0x13c: {  	v0 =	vld [tilespmem:s15+$0xC10];
	_ =	sdelay $0x4  }
0x13d: {  	[tilespmem:s14+$0x6C10] =	vst v0  }
0x13e: {  	[tilespmem:s14+$0x2C10] =	vst v0  }
0x13f: {  	[tilespmem:s14+$0xC10] =	vst v0  }
0x140: {  	[tilespmem:s14+$0x4C10] =	vst v0  }
0x141: {  	v0 =	vld [tilespmem:s15+$0xC20];
	_ =	sdelay $0x4  }
0x142: {  	[tilespmem:s14+$0xC20] =	vst v0  }
0x143: {  	[tilespmem:s14+$0x2C20] =	vst v0  }
0x144: {  	[tilespmem:s14+$0x4C20] =	vst v0  }
0x145: {  	[tilespmem:s14+$0x6C20] =	vst v0  }
0x146: {  	v0 =	vld [tilespmem:s15+$0xC30];
	_ =	sdelay $0x4  }
0x147: {  	[tilespmem:s14+$0x6C30] =	vst v0  }
0x148: {  	[tilespmem:s14+$0x2C30] =	vst v0  }
0x149: {  	[tilespmem:s14+$0xC30] =	vst v0  }
0x14a: {  	[tilespmem:s14+$0x4C30] =	vst v0  }
0x14b: {  	v0 =	vld [tilespmem:s15+$0xC40];
	_ =	sdelay $0x4  }
0x14c: {  	[tilespmem:s14+$0xC40] =	vst v0  }
0x14d: {  	[tilespmem:s14+$0x2C40] =	vst v0  }
0x14e: {  	[tilespmem:s14+$0x4C40] =	vst v0  }
0x14f: {  	[tilespmem:s14+$0x6C40] =	vst v0  }
0x150: {  	v0 =	vld [tilespmem:s15+$0xC50];
	_ =	sdelay $0x4  }
0x151: {  	[tilespmem:s14+$0x2C50] =	vst v0  }
0x152: {  	[tilespmem:s14+$0x4C50] =	vst v0  }
0x153: {  	[tilespmem:s14+$0xC50] =	vst v0  }
0x154: {  	[tilespmem:s14+$0x6C50] =	vst v0  }
0x155: {  	v0 =	vld [tilespmem:s15+$0xC60];
	_ =	sdelay $0x4  }
0x156: {  	[tilespmem:s14+$0x6C60] =	vst v0  }
0x157: {  	[tilespmem:s14+$0x2C60] =	vst v0  }
0x158: {  	[tilespmem:s14+$0xC60] =	vst v0  }
0x159: {  	[tilespmem:s14+$0x4C60] =	vst v0  }
0x15a: {  	v0 =	vld [tilespmem:s15+$0xC70];
	_ =	sdelay $0x4  }
0x15b: {  	[tilespmem:s14+$0xC70] =	vst v0  }
0x15c: {  	[tilespmem:s14+$0x6C70] =	vst v0  }
0x15d: {  	s12 =	sshll.u32 s12, $0xA;
	p1 =	sne.s32 @!p0 s11, $0x20;
	[tilespmem:s14+$0x4C70] =	vst v0  }
0x15e: {  	s12 =	sadd.s32 s12, s4;
	p1 =	por p0, !p1;
	[tilespmem:s14+$0x2C70] =	vst v0  }
0x15f: {  	[hbm4b:s12+s8] =	stream.strided.scatter [tilespmem:s13], [sflag:$0x2], $0x8000, s9, s8, $0x38;
	[tilespmem:$0x14000] =	vst v63  }
.Ltmp1:
0x160: {  	_ = 	snop;
	(pc) =	sbr.rel @!p1 .LBB2_2-.Ltmp1, $4  }
0x161: {  	s12 =	simm.s32 @!p0 $0x1  }
0x162: {  	_ =	swait.ge @!p0 [sflag:s12], $0x2000  }
0x163: {  	[sflag:s12] =	ssyncset.done @!p0 $0x0  }
0x164: {  	[sflag:s12] =	ssyncadd.s32 @!p0 $0xFFFFE000;
	s12 =	smov.u32 s11  }
0x165: {  	s10 =	sadd.s32 $0x1, s10  }
0x166: {  	_ =	swait.ge [sflag:s7], $0x8000;
	p0 =	sne.s32 s10, s5  }
.Ltmp2:
0x167: {  	[sflag:s7] =	ssyncset.done $0x0;
	(pc) =	sbr.rel @p0 .LBB2_1-.Ltmp2, $4  }
0x168: {  	[sflag:s7] =	ssyncadd.s32 $0xFFFF8000  }
0x169: {  	_ =	swait.ge [sflag:s7], $0x8000  }
0x16a: {  	[sflag:s7] =	ssyncset.done $0x0  }
0x16b: {  	[sflag:s7] =	ssyncadd.s32 $0xFFFF8000  }
0x16c: {  	_ =	sfence.sel $0x180000  }
0x16d: {  	[bflag:$0x0] =	sbarrier.arrive $0xFFFF  }
0x16e: {  	p0 =	sne.s32 s1, $0x0;
	_ =	strace $0x90000047  }
0x16f: {  	s0 =	sadd.s32 @!p0 $0x100000, s0;
	[bflag:$0x2] =	sbarrier.arrive $0xFFFF  }
0x170: {  	[sflag:s0] =	ssyncadd.tile.s32 @!p0 $0x1;
	_ =	shalt  }
.Lfunc_end2:
_tile_overlayer_lowered:
.L_overlay_start_2:
0x171: {  	(tag) =	ssettag $0x2  }
0x172: {  	s0 =	rddreg [dreg:$0x0];
	s2 =	stileid.u32  }
0x173: {  	s1 =	rddreg [dreg:$0x1];
	p0 =	sne.s32 s2, $0x0  }
0x174: {  	s3 =	rddreg [dreg:$0x2];
	[bflag:$0x3] =	sbarrier.arrive $0xFFFF;
	s2 =	simm.s32 @!p0 $0x1C03  }
0x175: {  	[timem:s3], [sflag:s2] =	dma.local @!p0 [hbm:s0], s1  }
0x176: {  	s0 =	simm.s32 @!p0 $0x3  }
0x177: {  	_ =	swait.ge @!p0 [sflag:s0], s1  }
0x178: {  	s1 =	ssub.s32 @!p0 $0x0, s1;
	[sflag:s0] =	ssyncset.done @!p0 $0x0  }
0x179: {  	[sflag:s0] =	ssyncadd.s32 @!p0 s1  }
0x17a: {  	[bflag:$0x3] =	sbarrier.arrive $0xFFFF  }
0x17b: {  	_ =	shalt  }

</sc_bundles>
